<compile_context>
chip_gen: v7x
topology: tpu7x:2x2x1
jax: 0.10.2.dev20260603
libtpu: 0.0.44.dev20260713+nightly
codegen_flags: <defaults>
</compile_context>

<pallas_src>
import functools

import jax
import jax.numpy as jnp
from jax import lax
from jax.experimental import pallas as pl
from jax.experimental.pallas import tpu as pltpu
from jax.experimental.pallas import tpu_sc as plsc

N_NODES = 100000
N_PAD = 100096
N_EDGES = 3200000
NC = 2
NS = 16
NW = NC * NS
CH = 4000
E_PER_W = N_EDGES // NW
ITERS = E_PER_W // CH
ROWS_PER_TILE = N_PAD // NS


def _sc_agg(x0, x1, x2, row, col, zeros):
    mesh = plsc.VectorSubcoreMesh(core_axis_name="c", subcore_axis_name="s")

    @functools.partial(
        pl.kernel,
        mesh=mesh,
        out_type=jax.ShapeDtypeStruct((NC, 3, N_PAD), jnp.float32),
        scratch_types=[
            pltpu.VMEM_SHARED((N_PAD,), jnp.float32),
            pltpu.VMEM_SHARED((N_PAD,), jnp.float32),
            pltpu.VMEM_SHARED((N_PAD,), jnp.float32),
            pltpu.VMEM_SHARED((N_PAD,), jnp.float32),
            pltpu.VMEM_SHARED((N_PAD,), jnp.float32),
            pltpu.VMEM_SHARED((N_PAD,), jnp.float32),
            pltpu.VMEM((2, CH), jnp.int32),
            pltpu.VMEM((3, CH), jnp.int32),
            pltpu.VMEM((2, 3, CH), jnp.float32),
            pltpu.SemaphoreType.DMA((2,)),
            pltpu.SemaphoreType.DMA,
            pltpu.SemaphoreType.DMA((2,)),
        ],
        compiler_params=pltpu.CompilerParams(use_tc_tiling_on_sc=False),
    )
    def k(x0_hbm, x1_hbm, x2_hbm, row_hbm, col_hbm, z_hbm, out_hbm,
          x0_s, x1_s, x2_s, a0_s, a1_s, a2_s,
          row_v, col_v, vv, sem_i, sem_g, sem_s):
        c = lax.axis_index("c")
        s = lax.axis_index("s")
        wid = c * NS + s
        nbase = s * ROWS_PER_TILE
        nsl = pl.ds(nbase, ROWS_PER_TILE)
        xs = (x0_s, x1_s, x2_s)
        ags = (a0_s, a1_s, a2_s)
        for xk_hbm, xk_s in zip((x0_hbm, x1_hbm, x2_hbm), xs):
            pltpu.sync_copy(xk_hbm.at[nsl], xk_s.at[nsl])
        for ak_s in ags:
            pltpu.sync_copy(z_hbm.at[nsl], ak_s.at[nsl])
        plsc.subcore_barrier()

        ebase = wid * E_PER_W

        pltpu.async_copy(row_hbm.at[pl.ds(ebase, CH)], row_v.at[0],
                         sem_i.at[0])
        pltpu.async_copy(col_hbm.at[pl.ds(ebase, CH)], col_v.at[0],
                         sem_i.at[0])

        def body(i, carry):
            p = lax.rem(i, 2)
            q = 1 - p
            c3 = lax.rem(i, 3)
            c3n = lax.rem(i + 1, 3)
            base = ebase + i * CH

            @pl.when(i >= 2)
            def _drain():
                for k, ak_s in enumerate(ags):
                    pltpu.make_async_copy(vv.at[p, k],
                                          ak_s.at[col_v.at[c3n]],
                                          sem_s.at[p]).wait()

            @pl.when(i + 1 < ITERS)
            def _prefetch():
                nb = base + CH
                pltpu.async_copy(row_hbm.at[pl.ds(nb, CH)], row_v.at[q],
                                 sem_i.at[q])
                pltpu.async_copy(col_hbm.at[pl.ds(nb, CH)], col_v.at[c3n],
                                 sem_i.at[q])

            pltpu.make_async_copy(row_hbm.at[pl.ds(base, CH)], row_v.at[p],
                                  sem_i.at[p]).wait()
            pltpu.make_async_copy(col_hbm.at[pl.ds(base, CH)], col_v.at[c3],
                                  sem_i.at[p]).wait()

            for k, xk_s in enumerate(xs):
                pltpu.async_copy(xk_s.at[row_v.at[p]], vv.at[p, k], sem_g)
            for k, xk_s in enumerate(xs):
                pltpu.make_async_copy(xk_s.at[row_v.at[p]], vv.at[p, k],
                                      sem_g).wait()
            for k, ak_s in enumerate(ags):
                pltpu.async_copy(vv.at[p, k], ak_s.at[col_v.at[c3]],
                                 sem_s.at[p], add=True)
            return carry

        lax.fori_loop(0, ITERS, body, 0)
        for k, ak_s in enumerate(ags):
            pltpu.make_async_copy(vv.at[1, k], ak_s.at[col_v.at[2]],
                                  sem_s.at[1]).wait()
        for k, ak_s in enumerate(ags):
            pltpu.make_async_copy(vv.at[0, k], ak_s.at[col_v.at[0]],
                                  sem_s.at[0]).wait()
        plsc.subcore_barrier()
        for k, ak_s in enumerate(ags):
            pltpu.sync_copy(ak_s.at[nsl], out_hbm.at[c, k, nsl])

    return k(x0, x1, x2, row, col, zeros)


def _mlp_body(x_ref, p_ref, w1x_ref, w1a_ref, b1_ref, w2_ref, b2_ref,
              w3_ref, b3_ref, out_ref):
    agg = p_ref[0] + p_ref[1]
    h = jnp.dot(x_ref[...], w1x_ref[...], preferred_element_type=jnp.float32)
    h += lax.dot_general(agg, w1a_ref[...], (((0,), (0,)), ((), ())),
                         preferred_element_type=jnp.float32)
    h = jax.nn.relu(h + b1_ref[...])
    h = jax.nn.relu(
        jnp.dot(h, w2_ref[...], preferred_element_type=jnp.float32)
        + b2_ref[...])
    out_ref[...] = (
        jnp.dot(h, w3_ref[...], preferred_element_type=jnp.float32)
        + b3_ref[...])


def _mlp(x, partials, W1, b1, W2, b2, W3, b3):
    R = 4096
    nblocks = -(-N_NODES // R)
    w1x = W1[:3]
    w1a = W1[3:6]
    full = lambda i: (0, 0)
    return pl.pallas_call(
        _mlp_body,
        grid=(nblocks,),
        in_specs=[
            pl.BlockSpec((R, 3), lambda i: (i, 0)),
            pl.BlockSpec((2, 3, R), lambda i: (0, 0, i)),
            pl.BlockSpec((3, 16), full),
            pl.BlockSpec((3, 16), full),
            pl.BlockSpec((1, 16), full),
            pl.BlockSpec((16, 16), full),
            pl.BlockSpec((1, 16), full),
            pl.BlockSpec((16, 3), full),
            pl.BlockSpec((1, 3), full),
        ],
        out_specs=pl.BlockSpec((R, 3), lambda i: (i, 0)),
        out_shape=jax.ShapeDtypeStruct((N_NODES, 3), jnp.float32),
    )(x, partials, w1x, w1a, b1.reshape(1, 16), W2, b2.reshape(1, 16),
      W3, b3.reshape(1, 3))


def kernel(x, edge_index, edge_attr, u, batch, W1, b1, W2, b2, W3, b3):
    row = edge_index[0].astype(jnp.int32)
    col = edge_index[1].astype(jnp.int32)
    pad = (0, N_PAD - N_NODES)
    x0 = jnp.pad(x[:, 0], pad)
    x1 = jnp.pad(x[:, 1], pad)
    x2 = jnp.pad(x[:, 2], pad)
    zeros = jnp.zeros((N_PAD,), jnp.float32)
    partials = _sc_agg(x0, x1, x2, row, col, zeros)
    return _mlp(x, partials, W1, b1, W2, b2, W3, b3)

# --- scband reference (transcript-rebuilt; emitter-appended) ---
"""Pipeline reference for scband-node-model-21552145891503 (READ-ONLY COPY).

The authoritative reference and input builder live on the scoring server;
editing this copy changes nothing except your own understanding.
"""

import jax, jax.numpy as jnp
import numpy as np

N_NODES = 100000
N_EDGES = 3200000

def setup_inputs(seed: int = 0) -> dict:
    key = jax.random.key(seed)
    ks = jax.random.split(key, 12)
    x = jax.random.normal(ks[0], (N_NODES, 3), dtype=jnp.float32)
    edge_index = jax.random.randint(ks[1], (2, N_EDGES), 0, N_NODES, dtype=jnp.int64)
    edge_attr = jax.random.normal(ks[2], (N_EDGES, 4), dtype=jnp.float32)
    u = jax.random.normal(ks[3], (1, 8), dtype=jnp.float32)
    batch = jnp.zeros((N_NODES,), dtype=jnp.int64)
    # node_mlp params: Lin(6,16) -> ReLU -> Lin(16,16) -> ReLU -> Lin(16,3)
    W1 = jax.random.normal(ks[4], (6, 16), dtype=jnp.float32) * (1.0 / np.sqrt(6))
    b1 = jnp.zeros((16,), dtype=jnp.float32)
    W2 = jax.random.normal(ks[5], (16, 16), dtype=jnp.float32) * (1.0 / np.sqrt(16))
    b2 = jnp.zeros((16,), dtype=jnp.float32)
    W3 = jax.random.normal(ks[6], (16, 3), dtype=jnp.float32) * (1.0 / np.sqrt(16))
    b3 = jnp.zeros((3,), dtype=jnp.float32)
    return {"x": x, "edge_index": edge_index, "edge_attr": edge_attr, "u": u, "batch": batch,
            "W1": W1, "b1": b1, "W2": W2, "b2": b2, "W3": W3, "b3": b3}

def reference(x, edge_index, edge_attr, u, batch, W1, b1, W2, b2, W3, b3):
    row = edge_index[0]
    col = edge_index[1]
    # out = scatter(x[row], col, dim=0, dim_size=N, reduce='sum')
    gathered = jnp.take(x, row, axis=0)
    agg = jax.ops.segment_sum(gathered, col, num_segments=x.shape[0])
    h = jnp.concatenate([x, agg], axis=1)
    h = jax.nn.relu(h @ W1 + b1)
    h = jax.nn.relu(h @ W2 + b2)
    out = h @ W3 + b3
    return out

if __name__ == "__main__":
    import jax
    _d = setup_inputs()
    print(jax.jit(kernel)(*tuple(_d.values())))

</pallas_src>

<mosaic_0001>
#map = affine_map<(d0, d1) -> (0)>
#map1 = affine_map<(d0, d1) -> (0, 0, 0)>
module attributes {stable_mosaic.version = 14 : i64} {
  func.func @k(%arg0: i32, %arg1: i32, %arg2: memref<100096xf32, #tpu.memory_space<hbm>>, %arg3: memref<100096xf32, #tpu.memory_space<hbm>>, %arg4: memref<100096xf32, #tpu.memory_space<hbm>>, %arg5: memref<3200000xi32, #tpu.memory_space<hbm>>, %arg6: memref<3200000xi32, #tpu.memory_space<hbm>>, %arg7: memref<100096xf32, #tpu.memory_space<hbm>>, %arg8: memref<2x3x100096xf32, #tpu.memory_space<hbm>>, %arg9: memref<100096xf32, #tpu.memory_space<vmem_shared>>, %arg10: memref<100096xf32, #tpu.memory_space<vmem_shared>>, %arg11: memref<100096xf32, #tpu.memory_space<vmem_shared>>, %arg12: memref<100096xf32, #tpu.memory_space<vmem_shared>>, %arg13: memref<100096xf32, #tpu.memory_space<vmem_shared>>, %arg14: memref<100096xf32, #tpu.memory_space<vmem_shared>>, %arg15: memref<2x4000xi32, #tpu.memory_space<vmem>>, %arg16: memref<3x4000xi32, #tpu.memory_space<vmem>>, %arg17: memref<2x3x4000xf32, #tpu.memory_space<vmem>>, %arg18: memref<2x!tpu.dma_semaphore, #tpu.memory_space<semaphore_mem>>, %arg19: memref<!tpu.dma_semaphore, #tpu.memory_space<semaphore_mem>>, %arg20: memref<2x!tpu.dma_semaphore, #tpu.memory_space<semaphore_mem>>) attributes {dimension_semantics = [#tpu.dimension_semantics<core_parallel>, #tpu.dimension_semantics<subcore_parallel>], iteration_bounds = array<i64: 2, 16>, scalar_prefetch = 0 : i64, scratch_operands = 12 : i64, tpu.core_type = #tpu.core_type<sc_vector_subcore>, window_params = [{transform_indices = #map}, {transform_indices = #map}, {transform_indices = #map}, {transform_indices = #map}, {transform_indices = #map}, {transform_indices = #map}, {transform_indices = #map1}]} {
    %mul3A = arith.constant 16 : i32
    %mul3A_0 = arith.muli %arg0, %mul3A : i32
    %add3A = arith.addi %mul3A_0, %arg1 : i32
    %mul3A_1 = arith.constant 6256 : i32
    %mul3A_2 = arith.muli %arg1, %mul3A_1 : i32
    "tpu.region"() ({
      %run_scoped3A_119 = tpu.sem_alloc : memref<!tpu.dma_semaphore, #tpu.memory_space<semaphore_mem>>
      %dma_start3A_120 = tpu.memref_slice %arg9[%mul3A_2] : memref<100096xf32, #tpu.memory_space<vmem_shared>> -> memref<6256xf32, #tpu.memory_space<vmem_shared>>
      %dma_start3A_121 = tpu.memref_slice %arg2[%mul3A_2] : memref<100096xf32, #tpu.memory_space<hbm>> -> memref<6256xf32, #tpu.memory_space<hbm>>
      tpu.enqueue_dma source(%dma_start3A_121 : memref<6256xf32, #tpu.memory_space<hbm>>) target(%dma_start3A_120 : memref<6256xf32, #tpu.memory_space<vmem_shared>>) target_semaphore(%run_scoped3A_119 : memref<!tpu.dma_semaphore, #tpu.memory_space<semaphore_mem>>)
      %dma_wait3A_122 = tpu.memref_slice %arg9[%mul3A_2] : memref<100096xf32, #tpu.memory_space<vmem_shared>> -> memref<6256xf32, #tpu.memory_space<vmem_shared>>
      %dma_wait3A_123 = tpu.memref_slice %arg2[%mul3A_2] : memref<100096xf32, #tpu.memory_space<hbm>> -> memref<6256xf32, #tpu.memory_space<hbm>>
      tpu.wait_dma2 semaphore(%run_scoped3A_119 : memref<!tpu.dma_semaphore, #tpu.memory_space<semaphore_mem>>) src(%dma_wait3A_123 : memref<6256xf32, #tpu.memory_space<hbm>>) dst(%dma_wait3A_122 : memref<6256xf32, #tpu.memory_space<vmem_shared>>)
      tpu.yield
    }) : () -> ()
    "tpu.region"() ({
      %run_scoped3A_119 = tpu.sem_alloc : memref<!tpu.dma_semaphore, #tpu.memory_space<semaphore_mem>>
      %dma_start3A_120 = tpu.memref_slice %arg10[%mul3A_2] : memref<100096xf32, #tpu.memory_space<vmem_shared>> -> memref<6256xf32, #tpu.memory_space<vmem_shared>>
      %dma_start3A_121 = tpu.memref_slice %arg3[%mul3A_2] : memref<100096xf32, #tpu.memory_space<hbm>> -> memref<6256xf32, #tpu.memory_space<hbm>>
      tpu.enqueue_dma source(%dma_start3A_121 : memref<6256xf32, #tpu.memory_space<hbm>>) target(%dma_start3A_120 : memref<6256xf32, #tpu.memory_space<vmem_shared>>) target_semaphore(%run_scoped3A_119 : memref<!tpu.dma_semaphore, #tpu.memory_space<semaphore_mem>>)
      %dma_wait3A_122 = tpu.memref_slice %arg10[%mul3A_2] : memref<100096xf32, #tpu.memory_space<vmem_shared>> -> memref<6256xf32, #tpu.memory_space<vmem_shared>>
      %dma_wait3A_123 = tpu.memref_slice %arg3[%mul3A_2] : memref<100096xf32, #tpu.memory_space<hbm>> -> memref<6256xf32, #tpu.memory_space<hbm>>
      tpu.wait_dma2 semaphore(%run_scoped3A_119 : memref<!tpu.dma_semaphore, #tpu.memory_space<semaphore_mem>>) src(%dma_wait3A_123 : memref<6256xf32, #tpu.memory_space<hbm>>) dst(%dma_wait3A_122 : memref<6256xf32, #tpu.memory_space<vmem_shared>>)
      tpu.yield
    }) : () -> ()
    "tpu.region"() ({
      %run_scoped3A_119 = tpu.sem_alloc : memref<!tpu.dma_semaphore, #tpu.memory_space<semaphore_mem>>
      %dma_start3A_120 = tpu.memref_slice %arg11[%mul3A_2] : memref<100096xf32, #tpu.memory_space<vmem_shared>> -> memref<6256xf32, #tpu.memory_space<vmem_shared>>
      %dma_start3A_121 = tpu.memref_slice %arg4[%mul3A_2] : memref<100096xf32, #tpu.memory_space<hbm>> -> memref<6256xf32, #tpu.memory_space<hbm>>
      tpu.enqueue_dma source(%dma_start3A_121 : memref<6256xf32, #tpu.memory_space<hbm>>) target(%dma_start3A_120 : memref<6256xf32, #tpu.memory_space<vmem_shared>>) target_semaphore(%run_scoped3A_119 : memref<!tpu.dma_semaphore, #tpu.memory_space<semaphore_mem>>)
      %dma_wait3A_122 = tpu.memref_slice %arg11[%mul3A_2] : memref<100096xf32, #tpu.memory_space<vmem_shared>> -> memref<6256xf32, #tpu.memory_space<vmem_shared>>
      %dma_wait3A_123 = tpu.memref_slice %arg4[%mul3A_2] : memref<100096xf32, #tpu.memory_space<hbm>> -> memref<6256xf32, #tpu.memory_space<hbm>>
      tpu.wait_dma2 semaphore(%run_scoped3A_119 : memref<!tpu.dma_semaphore, #tpu.memory_space<semaphore_mem>>) src(%dma_wait3A_123 : memref<6256xf32, #tpu.memory_space<hbm>>) dst(%dma_wait3A_122 : memref<6256xf32, #tpu.memory_space<vmem_shared>>)
      tpu.yield
    }) : () -> ()
    "tpu.region"() ({
      %run_scoped3A_119 = tpu.sem_alloc : memref<!tpu.dma_semaphore, #tpu.memory_space<semaphore_mem>>
      %dma_start3A_120 = tpu.memref_slice %arg12[%mul3A_2] : memref<100096xf32, #tpu.memory_space<vmem_shared>> -> memref<6256xf32, #tpu.memory_space<vmem_shared>>
      %dma_start3A_121 = tpu.memref_slice %arg7[%mul3A_2] : memref<100096xf32, #tpu.memory_space<hbm>> -> memref<6256xf32, #tpu.memory_space<hbm>>
      tpu.enqueue_dma source(%dma_start3A_121 : memref<6256xf32, #tpu.memory_space<hbm>>) target(%dma_start3A_120 : memref<6256xf32, #tpu.memory_space<vmem_shared>>) target_semaphore(%run_scoped3A_119 : memref<!tpu.dma_semaphore, #tpu.memory_space<semaphore_mem>>)
      %dma_wait3A_122 = tpu.memref_slice %arg12[%mul3A_2] : memref<100096xf32, #tpu.memory_space<vmem_shared>> -> memref<6256xf32, #tpu.memory_space<vmem_shared>>
      %dma_wait3A_123 = tpu.memref_slice %arg7[%mul3A_2] : memref<100096xf32, #tpu.memory_space<hbm>> -> memref<6256xf32, #tpu.memory_space<hbm>>
      tpu.wait_dma2 semaphore(%run_scoped3A_119 : memref<!tpu.dma_semaphore, #tpu.memory_space<semaphore_mem>>) src(%dma_wait3A_123 : memref<6256xf32, #tpu.memory_space<hbm>>) dst(%dma_wait3A_122 : memref<6256xf32, #tpu.memory_space<vmem_shared>>)
      tpu.yield
    }) : () -> ()
    "tpu.region"() ({
      %run_scoped3A_119 = tpu.sem_alloc : memref<!tpu.dma_semaphore, #tpu.memory_space<semaphore_mem>>
      %dma_start3A_120 = tpu.memref_slice %arg13[%mul3A_2] : memref<100096xf32, #tpu.memory_space<vmem_shared>> -> memref<6256xf32, #tpu.memory_space<vmem_shared>>
      %dma_start3A_121 = tpu.memref_slice %arg7[%mul3A_2] : memref<100096xf32, #tpu.memory_space<hbm>> -> memref<6256xf32, #tpu.memory_space<hbm>>
      tpu.enqueue_dma source(%dma_start3A_121 : memref<6256xf32, #tpu.memory_space<hbm>>) target(%dma_start3A_120 : memref<6256xf32, #tpu.memory_space<vmem_shared>>) target_semaphore(%run_scoped3A_119 : memref<!tpu.dma_semaphore, #tpu.memory_space<semaphore_mem>>)
      %dma_wait3A_122 = tpu.memref_slice %arg13[%mul3A_2] : memref<100096xf32, #tpu.memory_space<vmem_shared>> -> memref<6256xf32, #tpu.memory_space<vmem_shared>>
      %dma_wait3A_123 = tpu.memref_slice %arg7[%mul3A_2] : memref<100096xf32, #tpu.memory_space<hbm>> -> memref<6256xf32, #tpu.memory_space<hbm>>
      tpu.wait_dma2 semaphore(%run_scoped3A_119 : memref<!tpu.dma_semaphore, #tpu.memory_space<semaphore_mem>>) src(%dma_wait3A_123 : memref<6256xf32, #tpu.memory_space<hbm>>) dst(%dma_wait3A_122 : memref<6256xf32, #tpu.memory_space<vmem_shared>>)
      tpu.yield
    }) : () -> ()
    "tpu.region"() ({
      %run_scoped3A_119 = tpu.sem_alloc : memref<!tpu.dma_semaphore, #tpu.memory_space<semaphore_mem>>
      %dma_start3A_120 = tpu.memref_slice %arg14[%mul3A_2] : memref<100096xf32, #tpu.memory_space<vmem_shared>> -> memref<6256xf32, #tpu.memory_space<vmem_shared>>
      %dma_start3A_121 = tpu.memref_slice %arg7[%mul3A_2] : memref<100096xf32, #tpu.memory_space<hbm>> -> memref<6256xf32, #tpu.memory_space<hbm>>
      tpu.enqueue_dma source(%dma_start3A_121 : memref<6256xf32, #tpu.memory_space<hbm>>) target(%dma_start3A_120 : memref<6256xf32, #tpu.memory_space<vmem_shared>>) target_semaphore(%run_scoped3A_119 : memref<!tpu.dma_semaphore, #tpu.memory_space<semaphore_mem>>)
      %dma_wait3A_122 = tpu.memref_slice %arg14[%mul3A_2] : memref<100096xf32, #tpu.memory_space<vmem_shared>> -> memref<6256xf32, #tpu.memory_space<vmem_shared>>
      %dma_wait3A_123 = tpu.memref_slice %arg7[%mul3A_2] : memref<100096xf32, #tpu.memory_space<hbm>> -> memref<6256xf32, #tpu.memory_space<hbm>>
      tpu.wait_dma2 semaphore(%run_scoped3A_119 : memref<!tpu.dma_semaphore, #tpu.memory_space<semaphore_mem>>) src(%dma_wait3A_123 : memref<6256xf32, #tpu.memory_space<hbm>>) dst(%dma_wait3A_122 : memref<6256xf32, #tpu.memory_space<vmem_shared>>)
      tpu.yield
    }) : () -> ()
    %barrier3A = arith.constant 0 : index
    tpu.barrier barrier_id(%barrier3A)
    %mul3A_3 = arith.constant 100000 : i32
    %mul3A_4 = arith.muli %add3A, %mul3A_3 : i32
    %dma_start3A = arith.constant 0 : i32
    %dma_start3A_5 = arith.constant 0 : i32
    %dma_start3A_6 = arith.constant 0 : i32
    %dma_start3A_7 = tpu.memref_slice %arg15[%dma_start3A, %dma_start3A_6] : memref<2x4000xi32, #tpu.memory_space<vmem>> -> memref<1x4000xi32, #tpu.memory_space<vmem>>
    %dma_start3A_8 = tpu.memref_squeeze %dma_start3A_7 : memref<1x4000xi32, #tpu.memory_space<vmem>> -> memref<4000xi32, #tpu.memory_space<vmem>>
    %dma_start3A_9 = tpu.memref_slice %arg5[%mul3A_4] : memref<3200000xi32, #tpu.memory_space<hbm>> -> memref<4000xi32, #tpu.memory_space<hbm>>
    %dma_start3A_10 = tpu.memref_slice %arg18[%dma_start3A_5] : memref<2x!tpu.dma_semaphore, #tpu.memory_space<semaphore_mem>> -> memref<1x!tpu.dma_semaphore, #tpu.memory_space<semaphore_mem>>
    %dma_start3A_11 = tpu.memref_squeeze %dma_start3A_10 : memref<1x!tpu.dma_semaphore, #tpu.memory_space<semaphore_mem>> -> memref<!tpu.dma_semaphore, #tpu.memory_space<semaphore_mem>>
    %dma_start3A_12 = arith.constant 0 : i32
    %dma_start3A_13 = tpu.memref_slice %arg15[%dma_start3A, %dma_start3A_12] : memref<2x4000xi32, #tpu.memory_space<vmem>> -> memref<1x4000xi32, #tpu.memory_space<vmem>>
    %dma_start3A_14 = tpu.memref_squeeze %dma_start3A_13 : memref<1x4000xi32, #tpu.memory_space<vmem>> -> memref<4000xi32, #tpu.memory_space<vmem>>
    %dma_start3A_15 = tpu.memref_slice %arg5[%mul3A_4] : memref<3200000xi32, #tpu.memory_space<hbm>> -> memref<4000xi32, #tpu.memory_space<hbm>>
    tpu.enqueue_dma source(%dma_start3A_15 : memref<4000xi32, #tpu.memory_space<hbm>>) target(%dma_start3A_14 : memref<4000xi32, #tpu.memory_space<vmem>>) target_semaphore(%dma_start3A_11 : memref<!tpu.dma_semaphore, #tpu.memory_space<semaphore_mem>>)
    %dma_start3A_16 = arith.constant 0 : i32
    %dma_start3A_17 = arith.constant 0 : i32
    %dma_start3A_18 = arith.constant 0 : i32
    %dma_start3A_19 = tpu.memref_slice %arg16[%dma_start3A_16, %dma_start3A_18] : memref<3x4000xi32, #tpu.memory_space<vmem>> -> memref<1x4000xi32, #tpu.memory_space<vmem>>
    %dma_start3A_20 = tpu.memref_squeeze %dma_start3A_19 : memref<1x4000xi32, #tpu.memory_space<vmem>> -> memref<4000xi32, #tpu.memory_space<vmem>>
    %dma_start3A_21 = tpu.memref_slice %arg6[%mul3A_4] : memref<3200000xi32, #tpu.memory_space<hbm>> -> memref<4000xi32, #tpu.memory_space<hbm>>
    %dma_start3A_22 = tpu.memref_slice %arg18[%dma_start3A_17] : memref<2x!tpu.dma_semaphore, #tpu.memory_space<semaphore_mem>> -> memref<1x!tpu.dma_semaphore, #tpu.memory_space<semaphore_mem>>
    %dma_start3A_23 = tpu.memref_squeeze %dma_start3A_22 : memref<1x!tpu.dma_semaphore, #tpu.memory_space<semaphore_mem>> -> memref<!tpu.dma_semaphore, #tpu.memory_space<semaphore_mem>>
    %dma_start3A_24 = arith.constant 0 : i32
    %dma_start3A_25 = tpu.memref_slice %arg16[%dma_start3A_16, %dma_start3A_24] : memref<3x4000xi32, #tpu.memory_space<vmem>> -> memref<1x4000xi32, #tpu.memory_space<vmem>>
    %dma_start3A_26 = tpu.memref_squeeze %dma_start3A_25 : memref<1x4000xi32, #tpu.memory_space<vmem>> -> memref<4000xi32, #tpu.memory_space<vmem>>
    %dma_start3A_27 = tpu.memref_slice %arg6[%mul3A_4] : memref<3200000xi32, #tpu.memory_space<hbm>> -> memref<4000xi32, #tpu.memory_space<hbm>>
    tpu.enqueue_dma source(%dma_start3A_27 : memref<4000xi32, #tpu.memory_space<hbm>>) target(%dma_start3A_26 : memref<4000xi32, #tpu.memory_space<vmem>>) target_semaphore(%dma_start3A_23 : memref<!tpu.dma_semaphore, #tpu.memory_space<semaphore_mem>>)
    %scan3A = arith.constant 0 : i32
    %scan3A_28 = arith.constant 0 : i32
    %scan3A_29 = arith.constant 25 : i32
    %scan3A_30 = arith.addi %scan3A_28, %scan3A_29 : i32
    %scan3A_31 = arith.constant 1 : i32
    scf.for %scan3A_119 = %scan3A_28 to %scan3A_30 step %scan3A_31  : i32 {
      %rem3A = arith.constant 2 : i32
      %rem3A_120 = arith.remsi %scan3A_119, %rem3A : i32
      %sub3A = arith.constant 1 : i32
      %sub3A_121 = arith.subi %sub3A, %rem3A_120 : i32
      %rem3A_122 = arith.constant 3 : i32
      %rem3A_123 = arith.remsi %scan3A_119, %rem3A_122 : i32
      %add3A_124 = arith.constant 1 : i32
      %add3A_125 = arith.addi %scan3A_119, %add3A_124 : i32
      %rem3A_126 = arith.constant 3 : i32
      %rem3A_127 = arith.remsi %add3A_125, %rem3A_126 : i32
      %mul3A_128 = arith.constant 4000 : i32
      %mul3A_129 = arith.muli %scan3A_119, %mul3A_128 : i32
      %add3A_130 = arith.addi %mul3A_4, %mul3A_129 : i32
      %ge3A = arith.constant 2 : i32
      %ge3A_131 = arith.cmpi sge, %scan3A_119, %ge3A : i32
      %convert_element_type3A = arith.extui %ge3A_131 : i1 to i32
      %cond3A = arith.constant 0 : i32
      %cond3A_132 = arith.cmpi ne, %convert_element_type3A, %cond3A : i32
      scf.if %cond3A_132 {
        %dma_wait3A_246 = arith.constant 0 : i32
        %dma_wait3A_247 = arith.constant 0 : i32
        %dma_wait3A_248 = tpu.memref_slice %arg17[%rem3A_120, %dma_wait3A_246, %dma_wait3A_247] : memref<2x3x4000xf32, #tpu.memory_space<vmem>> -> memref<1x1x4000xf32, #tpu.memory_space<vmem>>
        %dma_wait3A_249 = tpu.memref_squeeze %dma_wait3A_248 : memref<1x1x4000xf32, #tpu.memory_space<vmem>> -> memref<4000xf32, #tpu.memory_space<vmem>>
        %dma_wait3A_250 = arith.constant 0 : i32
        %dma_wait3A_251 = tpu.memref_slice %arg16[%rem3A_127, %dma_wait3A_250] : memref<3x4000xi32, #tpu.memory_space<vmem>> -> memref<1x4000xi32, #tpu.memory_space<vmem>>
        %dma_wait3A_252 = tpu.memref_squeeze %dma_wait3A_251 : memref<1x4000xi32, #tpu.memory_space<vmem>> -> memref<4000xi32, #tpu.memory_space<vmem>>
        %dma_wait3A_253 = arith.constant 0 : i32
        %dma_wait3A_254 = tpu.memref_slice %arg12[%dma_wait3A_253] : memref<100096xf32, #tpu.memory_space<vmem_shared>> -> memref<100096xf32, #tpu.memory_space<vmem_shared>>
        %dma_wait3A_255 = tpu.memref_slice %arg20[%rem3A_120] : memref<2x!tpu.dma_semaphore, #tpu.memory_space<semaphore_mem>> -> memref<1x!tpu.dma_semaphore, #tpu.memory_space<semaphore_mem>>
        %dma_wait3A_256 = tpu.memref_squeeze %dma_wait3A_255 : memref<1x!tpu.dma_semaphore, #tpu.memory_space<semaphore_mem>> -> memref<!tpu.dma_semaphore, #tpu.memory_space<semaphore_mem>>
        tpu.wait_indirect_dma semaphore(%dma_wait3A_256 : memref<!tpu.dma_semaphore, #tpu.memory_space<semaphore_mem>>) src(%dma_wait3A_249 : memref<4000xf32, #tpu.memory_space<vmem>>) dst(%dma_wait3A_254 : memref<100096xf32, #tpu.memory_space<vmem_shared>>)
        %dma_wait3A_257 = arith.constant 1 : i32
        %dma_wait3A_258 = arith.constant 0 : i32
        %dma_wait3A_259 = tpu.memref_slice %arg17[%rem3A_120, %dma_wait3A_257, %dma_wait3A_258] : memref<2x3x4000xf32, #tpu.memory_space<vmem>> -> memref<1x1x4000xf32, #tpu.memory_space<vmem>>
        %dma_wait3A_260 = tpu.memref_squeeze %dma_wait3A_259 : memref<1x1x4000xf32, #tpu.memory_space<vmem>> -> memref<4000xf32, #tpu.memory_space<vmem>>
        %dma_wait3A_261 = arith.constant 0 : i32
        %dma_wait3A_262 = tpu.memref_slice %arg16[%rem3A_127, %dma_wait3A_261] : memref<3x4000xi32, #tpu.memory_space<vmem>> -> memref<1x4000xi32, #tpu.memory_space<vmem>>
        %dma_wait3A_263 = tpu.memref_squeeze %dma_wait3A_262 : memref<1x4000xi32, #tpu.memory_space<vmem>> -> memref<4000xi32, #tpu.memory_space<vmem>>
        %dma_wait3A_264 = arith.constant 0 : i32
        %dma_wait3A_265 = tpu.memref_slice %arg13[%dma_wait3A_264] : memref<100096xf32, #tpu.memory_space<vmem_shared>> -> memref<100096xf32, #tpu.memory_space<vmem_shared>>
        %dma_wait3A_266 = tpu.memref_slice %arg20[%rem3A_120] : memref<2x!tpu.dma_semaphore, #tpu.memory_space<semaphore_mem>> -> memref<1x!tpu.dma_semaphore, #tpu.memory_space<semaphore_mem>>
        %dma_wait3A_267 = tpu.memref_squeeze %dma_wait3A_266 : memref<1x!tpu.dma_semaphore, #tpu.memory_space<semaphore_mem>> -> memref<!tpu.dma_semaphore, #tpu.memory_space<semaphore_mem>>
        tpu.wait_indirect_dma semaphore(%dma_wait3A_267 : memref<!tpu.dma_semaphore, #tpu.memory_space<semaphore_mem>>) src(%dma_wait3A_260 : memref<4000xf32, #tpu.memory_space<vmem>>) dst(%dma_wait3A_265 : memref<100096xf32, #tpu.memory_space<vmem_shared>>)
        %dma_wait3A_268 = arith.constant 2 : i32
        %dma_wait3A_269 = arith.constant 0 : i32
        %dma_wait3A_270 = tpu.memref_slice %arg17[%rem3A_120, %dma_wait3A_268, %dma_wait3A_269] : memref<2x3x4000xf32, #tpu.memory_space<vmem>> -> memref<1x1x4000xf32, #tpu.memory_space<vmem>>
        %dma_wait3A_271 = tpu.memref_squeeze %dma_wait3A_270 : memref<1x1x4000xf32, #tpu.memory_space<vmem>> -> memref<4000xf32, #tpu.memory_space<vmem>>
        %dma_wait3A_272 = arith.constant 0 : i32
        %dma_wait3A_273 = tpu.memref_slice %arg16[%rem3A_127, %dma_wait3A_272] : memref<3x4000xi32, #tpu.memory_space<vmem>> -> memref<1x4000xi32, #tpu.memory_space<vmem>>
        %dma_wait3A_274 = tpu.memref_squeeze %dma_wait3A_273 : memref<1x4000xi32, #tpu.memory_space<vmem>> -> memref<4000xi32, #tpu.memory_space<vmem>>
        %dma_wait3A_275 = arith.constant 0 : i32
        %dma_wait3A_276 = tpu.memref_slice %arg14[%dma_wait3A_275] : memref<100096xf32, #tpu.memory_space<vmem_shared>> -> memref<100096xf32, #tpu.memory_space<vmem_shared>>
        %dma_wait3A_277 = tpu.memref_slice %arg20[%rem3A_120] : memref<2x!tpu.dma_semaphore, #tpu.memory_space<semaphore_mem>> -> memref<1x!tpu.dma_semaphore, #tpu.memory_space<semaphore_mem>>
        %dma_wait3A_278 = tpu.memref_squeeze %dma_wait3A_277 : memref<1x!tpu.dma_semaphore, #tpu.memory_space<semaphore_mem>> -> memref<!tpu.dma_semaphore, #tpu.memory_space<semaphore_mem>>
        tpu.wait_indirect_dma semaphore(%dma_wait3A_278 : memref<!tpu.dma_semaphore, #tpu.memory_space<semaphore_mem>>) src(%dma_wait3A_271 : memref<4000xf32, #tpu.memory_space<vmem>>) dst(%dma_wait3A_276 : memref<100096xf32, #tpu.memory_space<vmem_shared>>)
      } else {
      }
      %add3A_133 = arith.constant 1 : i32
      %add3A_134 = arith.addi %scan3A_119, %add3A_133 : i32
      %lt3A = arith.constant 25 : i32
      %lt3A_135 = arith.cmpi slt, %add3A_134, %lt3A : i32
      %convert_element_type3A_136 = arith.extui %lt3A_135 : i1 to i32
      %cond3A_137 = arith.constant 0 : i32
      %cond3A_138 = arith.cmpi ne, %convert_element_type3A_136, %cond3A_137 : i32
      scf.if %cond3A_138 {
        %add3A_246 = arith.constant 4000 : i32
        %add3A_247 = arith.addi %add3A_130, %add3A_246 : i32
        %dma_start3A_248 = arith.constant 0 : i32
        %dma_start3A_249 = tpu.memref_slice %arg15[%sub3A_121, %dma_start3A_248] : memref<2x4000xi32, #tpu.memory_space<vmem>> -> memref<1x4000xi32, #tpu.memory_space<vmem>>
        %dma_start3A_250 = tpu.memref_squeeze %dma_start3A_249 : memref<1x4000xi32, #tpu.memory_space<vmem>> -> memref<4000xi32, #tpu.memory_space<vmem>>
        %dma_start3A_251 = tpu.memref_slice %arg5[%add3A_247] : memref<3200000xi32, #tpu.memory_space<hbm>> -> memref<4000xi32, #tpu.memory_space<hbm>>
        %dma_start3A_252 = tpu.memref_slice %arg18[%sub3A_121] : memref<2x!tpu.dma_semaphore, #tpu.memory_space<semaphore_mem>> -> memref<1x!tpu.dma_semaphore, #tpu.memory_space<semaphore_mem>>
        %dma_start3A_253 = tpu.memref_squeeze %dma_start3A_252 : memref<1x!tpu.dma_semaphore, #tpu.memory_space<semaphore_mem>> -> memref<!tpu.dma_semaphore, #tpu.memory_space<semaphore_mem>>
        %dma_start3A_254 = arith.constant 0 : i32
        %dma_start3A_255 = tpu.memref_slice %arg15[%sub3A_121, %dma_start3A_254] : memref<2x4000xi32, #tpu.memory_space<vmem>> -> memref<1x4000xi32, #tpu.memory_space<vmem>>
        %dma_start3A_256 = tpu.memref_squeeze %dma_start3A_255 : memref<1x4000xi32, #tpu.memory_space<vmem>> -> memref<4000xi32, #tpu.memory_space<vmem>>
        %dma_start3A_257 = tpu.memref_slice %arg5[%add3A_247] : memref<3200000xi32, #tpu.memory_space<hbm>> -> memref<4000xi32, #tpu.memory_space<hbm>>
        tpu.enqueue_dma source(%dma_start3A_257 : memref<4000xi32, #tpu.memory_space<hbm>>) target(%dma_start3A_256 : memref<4000xi32, #tpu.memory_space<vmem>>) target_semaphore(%dma_start3A_253 : memref<!tpu.dma_semaphore, #tpu.memory_space<semaphore_mem>>)
        %dma_start3A_258 = arith.constant 0 : i32
        %dma_start3A_259 = tpu.memref_slice %arg16[%rem3A_127, %dma_start3A_258] : memref<3x4000xi32, #tpu.memory_space<vmem>> -> memref<1x4000xi32, #tpu.memory_space<vmem>>
        %dma_start3A_260 = tpu.memref_squeeze %dma_start3A_259 : memref<1x4000xi32, #tpu.memory_space<vmem>> -> memref<4000xi32, #tpu.memory_space<vmem>>
        %dma_start3A_261 = tpu.memref_slice %arg6[%add3A_247] : memref<3200000xi32, #tpu.memory_space<hbm>> -> memref<4000xi32, #tpu.memory_space<hbm>>
        %dma_start3A_262 = tpu.memref_slice %arg18[%sub3A_121] : memref<2x!tpu.dma_semaphore, #tpu.memory_space<semaphore_mem>> -> memref<1x!tpu.dma_semaphore, #tpu.memory_space<semaphore_mem>>
        %dma_start3A_263 = tpu.memref_squeeze %dma_start3A_262 : memref<1x!tpu.dma_semaphore, #tpu.memory_space<semaphore_mem>> -> memref<!tpu.dma_semaphore, #tpu.memory_space<semaphore_mem>>
        %dma_start3A_264 = arith.constant 0 : i32
        %dma_start3A_265 = tpu.memref_slice %arg16[%rem3A_127, %dma_start3A_264] : memref<3x4000xi32, #tpu.memory_space<vmem>> -> memref<1x4000xi32, #tpu.memory_space<vmem>>
        %dma_start3A_266 = tpu.memref_squeeze %dma_start3A_265 : memref<1x4000xi32, #tpu.memory_space<vmem>> -> memref<4000xi32, #tpu.memory_space<vmem>>
        %dma_start3A_267 = tpu.memref_slice %arg6[%add3A_247] : memref<3200000xi32, #tpu.memory_space<hbm>> -> memref<4000xi32, #tpu.memory_space<hbm>>
        tpu.enqueue_dma source(%dma_start3A_267 : memref<4000xi32, #tpu.memory_space<hbm>>) target(%dma_start3A_266 : memref<4000xi32, #tpu.memory_space<vmem>>) target_semaphore(%dma_start3A_263 : memref<!tpu.dma_semaphore, #tpu.memory_space<semaphore_mem>>)
      } else {
      }
      %dma_wait3A_139 = arith.constant 0 : i32
      %dma_wait3A_140 = tpu.memref_slice %arg15[%rem3A_120, %dma_wait3A_139] : memref<2x4000xi32, #tpu.memory_space<vmem>> -> memref<1x4000xi32, #tpu.memory_space<vmem>>
      %dma_wait3A_141 = tpu.memref_squeeze %dma_wait3A_140 : memref<1x4000xi32, #tpu.memory_space<vmem>> -> memref<4000xi32, #tpu.memory_space<vmem>>
      %dma_wait3A_142 = tpu.memref_slice %arg5[%add3A_130] : memref<3200000xi32, #tpu.memory_space<hbm>> -> memref<4000xi32, #tpu.memory_space<hbm>>
      %dma_wait3A_143 = tpu.memref_slice %arg18[%rem3A_120] : memref<2x!tpu.dma_semaphore, #tpu.memory_space<semaphore_mem>> -> memref<1x!tpu.dma_semaphore, #tpu.memory_space<semaphore_mem>>
      %dma_wait3A_144 = tpu.memref_squeeze %dma_wait3A_143 : memref<1x!tpu.dma_semaphore, #tpu.memory_space<semaphore_mem>> -> memref<!tpu.dma_semaphore, #tpu.memory_space<semaphore_mem>>
      %dma_wait3A_145 = arith.constant 0 : i32
      %dma_wait3A_146 = tpu.memref_slice %arg15[%rem3A_120, %dma_wait3A_145] : memref<2x4000xi32, #tpu.memory_space<vmem>> -> memref<1x4000xi32, #tpu.memory_space<vmem>>
      %dma_wait3A_147 = tpu.memref_squeeze %dma_wait3A_146 : memref<1x4000xi32, #tpu.memory_space<vmem>> -> memref<4000xi32, #tpu.memory_space<vmem>>
      %dma_wait3A_148 = tpu.memref_slice %arg5[%add3A_130] : memref<3200000xi32, #tpu.memory_space<hbm>> -> memref<4000xi32, #tpu.memory_space<hbm>>
      tpu.wait_dma2 semaphore(%dma_wait3A_144 : memref<!tpu.dma_semaphore, #tpu.memory_space<semaphore_mem>>) src(%dma_wait3A_148 : memref<4000xi32, #tpu.memory_space<hbm>>) dst(%dma_wait3A_147 : memref<4000xi32, #tpu.memory_space<vmem>>)
      %dma_wait3A_149 = arith.constant 0 : i32
      %dma_wait3A_150 = tpu.memref_slice %arg16[%rem3A_123, %dma_wait3A_149] : memref<3x4000xi32, #tpu.memory_space<vmem>> -> memref<1x4000xi32, #tpu.memory_space<vmem>>
      %dma_wait3A_151 = tpu.memref_squeeze %dma_wait3A_150 : memref<1x4000xi32, #tpu.memory_space<vmem>> -> memref<4000xi32, #tpu.memory_space<vmem>>
      %dma_wait3A_152 = tpu.memref_slice %arg6[%add3A_130] : memref<3200000xi32, #tpu.memory_space<hbm>> -> memref<4000xi32, #tpu.memory_space<hbm>>
      %dma_wait3A_153 = tpu.memref_slice %arg18[%rem3A_120] : memref<2x!tpu.dma_semaphore, #tpu.memory_space<semaphore_mem>> -> memref<1x!tpu.dma_semaphore, #tpu.memory_space<semaphore_mem>>
      %dma_wait3A_154 = tpu.memref_squeeze %dma_wait3A_153 : memref<1x!tpu.dma_semaphore, #tpu.memory_space<semaphore_mem>> -> memref<!tpu.dma_semaphore, #tpu.memory_space<semaphore_mem>>
      %dma_wait3A_155 = arith.constant 0 : i32
      %dma_wait3A_156 = tpu.memref_slice %arg16[%rem3A_123, %dma_wait3A_155] : memref<3x4000xi32, #tpu.memory_space<vmem>> -> memref<1x4000xi32, #tpu.memory_space<vmem>>
      %dma_wait3A_157 = tpu.memref_squeeze %dma_wait3A_156 : memref<1x4000xi32, #tpu.memory_space<vmem>> -> memref<4000xi32, #tpu.memory_space<vmem>>
      %dma_wait3A_158 = tpu.memref_slice %arg6[%add3A_130] : memref<3200000xi32, #tpu.memory_space<hbm>> -> memref<4000xi32, #tpu.memory_space<hbm>>
      tpu.wait_dma2 semaphore(%dma_wait3A_154 : memref<!tpu.dma_semaphore, #tpu.memory_space<semaphore_mem>>) src(%dma_wait3A_158 : memref<4000xi32, #tpu.memory_space<hbm>>) dst(%dma_wait3A_157 : memref<4000xi32, #tpu.memory_space<vmem>>)
      %dma_start3A_159 = arith.constant 0 : i32
      %dma_start3A_160 = arith.constant 0 : i32
      %dma_start3A_161 = tpu.memref_slice %arg17[%rem3A_120, %dma_start3A_159, %dma_start3A_160] : memref<2x3x4000xf32, #tpu.memory_space<vmem>> -> memref<1x1x4000xf32, #tpu.memory_space<vmem>>
      %dma_start3A_162 = tpu.memref_squeeze %dma_start3A_161 : memref<1x1x4000xf32, #tpu.memory_space<vmem>> -> memref<4000xf32, #tpu.memory_space<vmem>>
      %dma_start3A_163 = arith.constant 0 : i32
      %dma_start3A_164 = tpu.memref_slice %arg15[%rem3A_120, %dma_start3A_163] : memref<2x4000xi32, #tpu.memory_space<vmem>> -> memref<1x4000xi32, #tpu.memory_space<vmem>>
      %dma_start3A_165 = tpu.memref_squeeze %dma_start3A_164 : memref<1x4000xi32, #tpu.memory_space<vmem>> -> memref<4000xi32, #tpu.memory_space<vmem>>
      %dma_start3A_166 = arith.constant 0 : i32
      %dma_start3A_167 = tpu.memref_slice %arg9[%dma_start3A_166] : memref<100096xf32, #tpu.memory_space<vmem_shared>> -> memref<100096xf32, #tpu.memory_space<vmem_shared>>
      tpu.enqueue_indirect_dma source(%dma_start3A_167 : memref<100096xf32, #tpu.memory_space<vmem_shared>>) target(%dma_start3A_162 : memref<4000xf32, #tpu.memory_space<vmem>>) offsets(%dma_start3A_165 : memref<4000xi32, #tpu.memory_space<vmem>>) semaphore(%arg19 : memref<!tpu.dma_semaphore, #tpu.memory_space<semaphore_mem>>)
      %dma_start3A_168 = arith.constant 1 : i32
      %dma_start3A_169 = arith.constant 0 : i32
      %dma_start3A_170 = tpu.memref_slice %arg17[%rem3A_120, %dma_start3A_168, %dma_start3A_169] : memref<2x3x4000xf32, #tpu.memory_space<vmem>> -> memref<1x1x4000xf32, #tpu.memory_space<vmem>>
      %dma_start3A_171 = tpu.memref_squeeze %dma_start3A_170 : memref<1x1x4000xf32, #tpu.memory_space<vmem>> -> memref<4000xf32, #tpu.memory_space<vmem>>
      %dma_start3A_172 = arith.constant 0 : i32
      %dma_start3A_173 = tpu.memref_slice %arg15[%rem3A_120, %dma_start3A_172] : memref<2x4000xi32, #tpu.memory_space<vmem>> -> memref<1x4000xi32, #tpu.memory_space<vmem>>
      %dma_start3A_174 = tpu.memref_squeeze %dma_start3A_173 : memref<1x4000xi32, #tpu.memory_space<vmem>> -> memref<4000xi32, #tpu.memory_space<vmem>>
      %dma_start3A_175 = arith.constant 0 : i32
      %dma_start3A_176 = tpu.memref_slice %arg10[%dma_start3A_175] : memref<100096xf32, #tpu.memory_space<vmem_shared>> -> memref<100096xf32, #tpu.memory_space<vmem_shared>>
      tpu.enqueue_indirect_dma source(%dma_start3A_176 : memref<100096xf32, #tpu.memory_space<vmem_shared>>) target(%dma_start3A_171 : memref<4000xf32, #tpu.memory_space<vmem>>) offsets(%dma_start3A_174 : memref<4000xi32, #tpu.memory_space<vmem>>) semaphore(%arg19 : memref<!tpu.dma_semaphore, #tpu.memory_space<semaphore_mem>>)
      %dma_start3A_177 = arith.constant 2 : i32
      %dma_start3A_178 = arith.constant 0 : i32
      %dma_start3A_179 = tpu.memref_slice %arg17[%rem3A_120, %dma_start3A_177, %dma_start3A_178] : memref<2x3x4000xf32, #tpu.memory_space<vmem>> -> memref<1x1x4000xf32, #tpu.memory_space<vmem>>
      %dma_start3A_180 = tpu.memref_squeeze %dma_start3A_179 : memref<1x1x4000xf32, #tpu.memory_space<vmem>> -> memref<4000xf32, #tpu.memory_space<vmem>>
      %dma_start3A_181 = arith.constant 0 : i32
      %dma_start3A_182 = tpu.memref_slice %arg15[%rem3A_120, %dma_start3A_181] : memref<2x4000xi32, #tpu.memory_space<vmem>> -> memref<1x4000xi32, #tpu.memory_space<vmem>>
      %dma_start3A_183 = tpu.memref_squeeze %dma_start3A_182 : memref<1x4000xi32, #tpu.memory_space<vmem>> -> memref<4000xi32, #tpu.memory_space<vmem>>
      %dma_start3A_184 = arith.constant 0 : i32
      %dma_start3A_185 = tpu.memref_slice %arg11[%dma_start3A_184] : memref<100096xf32, #tpu.memory_space<vmem_shared>> -> memref<100096xf32, #tpu.memory_space<vmem_shared>>
      tpu.enqueue_indirect_dma source(%dma_start3A_185 : memref<100096xf32, #tpu.memory_space<vmem_shared>>) target(%dma_start3A_180 : memref<4000xf32, #tpu.memory_space<vmem>>) offsets(%dma_start3A_183 : memref<4000xi32, #tpu.memory_space<vmem>>) semaphore(%arg19 : memref<!tpu.dma_semaphore, #tpu.memory_space<semaphore_mem>>)
      %dma_wait3A_186 = arith.constant 0 : i32
      %dma_wait3A_187 = arith.constant 0 : i32
      %dma_wait3A_188 = tpu.memref_slice %arg17[%rem3A_120, %dma_wait3A_186, %dma_wait3A_187] : memref<2x3x4000xf32, #tpu.memory_space<vmem>> -> memref<1x1x4000xf32, #tpu.memory_space<vmem>>
      %dma_wait3A_189 = tpu.memref_squeeze %dma_wait3A_188 : memref<1x1x4000xf32, #tpu.memory_space<vmem>> -> memref<4000xf32, #tpu.memory_space<vmem>>
      %dma_wait3A_190 = arith.constant 0 : i32
      %dma_wait3A_191 = tpu.memref_slice %arg15[%rem3A_120, %dma_wait3A_190] : memref<2x4000xi32, #tpu.memory_space<vmem>> -> memref<1x4000xi32, #tpu.memory_space<vmem>>
      %dma_wait3A_192 = tpu.memref_squeeze %dma_wait3A_191 : memref<1x4000xi32, #tpu.memory_space<vmem>> -> memref<4000xi32, #tpu.memory_space<vmem>>
      %dma_wait3A_193 = arith.constant 0 : i32
      %dma_wait3A_194 = tpu.memref_slice %arg9[%dma_wait3A_193] : memref<100096xf32, #tpu.memory_space<vmem_shared>> -> memref<100096xf32, #tpu.memory_space<vmem_shared>>
      tpu.wait_indirect_dma semaphore(%arg19 : memref<!tpu.dma_semaphore, #tpu.memory_space<semaphore_mem>>) src(%dma_wait3A_194 : memref<100096xf32, #tpu.memory_space<vmem_shared>>) dst(%dma_wait3A_189 : memref<4000xf32, #tpu.memory_space<vmem>>)
      %dma_wait3A_195 = arith.constant 1 : i32
      %dma_wait3A_196 = arith.constant 0 : i32
      %dma_wait3A_197 = tpu.memref_slice %arg17[%rem3A_120, %dma_wait3A_195, %dma_wait3A_196] : memref<2x3x4000xf32, #tpu.memory_space<vmem>> -> memref<1x1x4000xf32, #tpu.memory_space<vmem>>
      %dma_wait3A_198 = tpu.memref_squeeze %dma_wait3A_197 : memref<1x1x4000xf32, #tpu.memory_space<vmem>> -> memref<4000xf32, #tpu.memory_space<vmem>>
      %dma_wait3A_199 = arith.constant 0 : i32
      %dma_wait3A_200 = tpu.memref_slice %arg15[%rem3A_120, %dma_wait3A_199] : memref<2x4000xi32, #tpu.memory_space<vmem>> -> memref<1x4000xi32, #tpu.memory_space<vmem>>
      %dma_wait3A_201 = tpu.memref_squeeze %dma_wait3A_200 : memref<1x4000xi32, #tpu.memory_space<vmem>> -> memref<4000xi32, #tpu.memory_space<vmem>>
      %dma_wait3A_202 = arith.constant 0 : i32
      %dma_wait3A_203 = tpu.memref_slice %arg10[%dma_wait3A_202] : memref<100096xf32, #tpu.memory_space<vmem_shared>> -> memref<100096xf32, #tpu.memory_space<vmem_shared>>
      tpu.wait_indirect_dma semaphore(%arg19 : memref<!tpu.dma_semaphore, #tpu.memory_space<semaphore_mem>>) src(%dma_wait3A_203 : memref<100096xf32, #tpu.memory_space<vmem_shared>>) dst(%dma_wait3A_198 : memref<4000xf32, #tpu.memory_space<vmem>>)
      %dma_wait3A_204 = arith.constant 2 : i32
      %dma_wait3A_205 = arith.constant 0 : i32
      %dma_wait3A_206 = tpu.memref_slice %arg17[%rem3A_120, %dma_wait3A_204, %dma_wait3A_205] : memref<2x3x4000xf32, #tpu.memory_space<vmem>> -> memref<1x1x4000xf32, #tpu.memory_space<vmem>>
      %dma_wait3A_207 = tpu.memref_squeeze %dma_wait3A_206 : memref<1x1x4000xf32, #tpu.memory_space<vmem>> -> memref<4000xf32, #tpu.memory_space<vmem>>
      %dma_wait3A_208 = arith.constant 0 : i32
      %dma_wait3A_209 = tpu.memref_slice %arg15[%rem3A_120, %dma_wait3A_208] : memref<2x4000xi32, #tpu.memory_space<vmem>> -> memref<1x4000xi32, #tpu.memory_space<vmem>>
      %dma_wait3A_210 = tpu.memref_squeeze %dma_wait3A_209 : memref<1x4000xi32, #tpu.memory_space<vmem>> -> memref<4000xi32, #tpu.memory_space<vmem>>
      %dma_wait3A_211 = arith.constant 0 : i32
      %dma_wait3A_212 = tpu.memref_slice %arg11[%dma_wait3A_211] : memref<100096xf32, #tpu.memory_space<vmem_shared>> -> memref<100096xf32, #tpu.memory_space<vmem_shared>>
      tpu.wait_indirect_dma semaphore(%arg19 : memref<!tpu.dma_semaphore, #tpu.memory_space<semaphore_mem>>) src(%dma_wait3A_212 : memref<100096xf32, #tpu.memory_space<vmem_shared>>) dst(%dma_wait3A_207 : memref<4000xf32, #tpu.memory_space<vmem>>)
      %dma_start3A_213 = arith.constant 0 : i32
      %dma_start3A_214 = arith.constant 0 : i32
      %dma_start3A_215 = tpu.memref_slice %arg17[%rem3A_120, %dma_start3A_213, %dma_start3A_214] : memref<2x3x4000xf32, #tpu.memory_space<vmem>> -> memref<1x1x4000xf32, #tpu.memory_space<vmem>>
      %dma_start3A_216 = tpu.memref_squeeze %dma_start3A_215 : memref<1x1x4000xf32, #tpu.memory_space<vmem>> -> memref<4000xf32, #tpu.memory_space<vmem>>
      %dma_start3A_217 = arith.constant 0 : i32
      %dma_start3A_218 = tpu.memref_slice %arg16[%rem3A_123, %dma_start3A_217] : memref<3x4000xi32, #tpu.memory_space<vmem>> -> memref<1x4000xi32, #tpu.memory_space<vmem>>
      %dma_start3A_219 = tpu.memref_squeeze %dma_start3A_218 : memref<1x4000xi32, #tpu.memory_space<vmem>> -> memref<4000xi32, #tpu.memory_space<vmem>>
      %dma_start3A_220 = arith.constant 0 : i32
      %dma_start3A_221 = tpu.memref_slice %arg12[%dma_start3A_220] : memref<100096xf32, #tpu.memory_space<vmem_shared>> -> memref<100096xf32, #tpu.memory_space<vmem_shared>>
      %dma_start3A_222 = tpu.memref_slice %arg20[%rem3A_120] : memref<2x!tpu.dma_semaphore, #tpu.memory_space<semaphore_mem>> -> memref<1x!tpu.dma_semaphore, #tpu.memory_space<semaphore_mem>>
      %dma_start3A_223 = tpu.memref_squeeze %dma_start3A_222 : memref<1x!tpu.dma_semaphore, #tpu.memory_space<semaphore_mem>> -> memref<!tpu.dma_semaphore, #tpu.memory_space<semaphore_mem>>
      tpu.enqueue_indirect_dma source(%dma_start3A_216 : memref<4000xf32, #tpu.memory_space<vmem>>) target(%dma_start3A_221 : memref<100096xf32, #tpu.memory_space<vmem_shared>>) offsets(%dma_start3A_219 : memref<4000xi32, #tpu.memory_space<vmem>>) semaphore(%dma_start3A_223 : memref<!tpu.dma_semaphore, #tpu.memory_space<semaphore_mem>>) {add = true}
      %dma_start3A_224 = arith.constant 1 : i32
      %dma_start3A_225 = arith.constant 0 : i32
      %dma_start3A_226 = tpu.memref_slice %arg17[%rem3A_120, %dma_start3A_224, %dma_start3A_225] : memref<2x3x4000xf32, #tpu.memory_space<vmem>> -> memref<1x1x4000xf32, #tpu.memory_space<vmem>>
      %dma_start3A_227 = tpu.memref_squeeze %dma_start3A_226 : memref<1x1x4000xf32, #tpu.memory_space<vmem>> -> memref<4000xf32, #tpu.memory_space<vmem>>
      %dma_start3A_228 = arith.constant 0 : i32
      %dma_start3A_229 = tpu.memref_slice %arg16[%rem3A_123, %dma_start3A_228] : memref<3x4000xi32, #tpu.memory_space<vmem>> -> memref<1x4000xi32, #tpu.memory_space<vmem>>
      %dma_start3A_230 = tpu.memref_squeeze %dma_start3A_229 : memref<1x4000xi32, #tpu.memory_space<vmem>> -> memref<4000xi32, #tpu.memory_space<vmem>>
      %dma_start3A_231 = arith.constant 0 : i32
      %dma_start3A_232 = tpu.memref_slice %arg13[%dma_start3A_231] : memref<100096xf32, #tpu.memory_space<vmem_shared>> -> memref<100096xf32, #tpu.memory_space<vmem_shared>>
      %dma_start3A_233 = tpu.memref_slice %arg20[%rem3A_120] : memref<2x!tpu.dma_semaphore, #tpu.memory_space<semaphore_mem>> -> memref<1x!tpu.dma_semaphore, #tpu.memory_space<semaphore_mem>>
      %dma_start3A_234 = tpu.memref_squeeze %dma_start3A_233 : memref<1x!tpu.dma_semaphore, #tpu.memory_space<semaphore_mem>> -> memref<!tpu.dma_semaphore, #tpu.memory_space<semaphore_mem>>
      tpu.enqueue_indirect_dma source(%dma_start3A_227 : memref<4000xf32, #tpu.memory_space<vmem>>) target(%dma_start3A_232 : memref<100096xf32, #tpu.memory_space<vmem_shared>>) offsets(%dma_start3A_230 : memref<4000xi32, #tpu.memory_space<vmem>>) semaphore(%dma_start3A_234 : memref<!tpu.dma_semaphore, #tpu.memory_space<semaphore_mem>>) {add = true}
      %dma_start3A_235 = arith.constant 2 : i32
      %dma_start3A_236 = arith.constant 0 : i32
      %dma_start3A_237 = tpu.memref_slice %arg17[%rem3A_120, %dma_start3A_235, %dma_start3A_236] : memref<2x3x4000xf32, #tpu.memory_space<vmem>> -> memref<1x1x4000xf32, #tpu.memory_space<vmem>>
      %dma_start3A_238 = tpu.memref_squeeze %dma_start3A_237 : memref<1x1x4000xf32, #tpu.memory_space<vmem>> -> memref<4000xf32, #tpu.memory_space<vmem>>
      %dma_start3A_239 = arith.constant 0 : i32
      %dma_start3A_240 = tpu.memref_slice %arg16[%rem3A_123, %dma_start3A_239] : memref<3x4000xi32, #tpu.memory_space<vmem>> -> memref<1x4000xi32, #tpu.memory_space<vmem>>
      %dma_start3A_241 = tpu.memref_squeeze %dma_start3A_240 : memref<1x4000xi32, #tpu.memory_space<vmem>> -> memref<4000xi32, #tpu.memory_space<vmem>>
      %dma_start3A_242 = arith.constant 0 : i32
      %dma_start3A_243 = tpu.memref_slice %arg14[%dma_start3A_242] : memref<100096xf32, #tpu.memory_space<vmem_shared>> -> memref<100096xf32, #tpu.memory_space<vmem_shared>>
      %dma_start3A_244 = tpu.memref_slice %arg20[%rem3A_120] : memref<2x!tpu.dma_semaphore, #tpu.memory_space<semaphore_mem>> -> memref<1x!tpu.dma_semaphore, #tpu.memory_space<semaphore_mem>>
      %dma_start3A_245 = tpu.memref_squeeze %dma_start3A_244 : memref<1x!tpu.dma_semaphore, #tpu.memory_space<semaphore_mem>> -> memref<!tpu.dma_semaphore, #tpu.memory_space<semaphore_mem>>
      tpu.enqueue_indirect_dma source(%dma_start3A_238 : memref<4000xf32, #tpu.memory_space<vmem>>) target(%dma_start3A_243 : memref<100096xf32, #tpu.memory_space<vmem_shared>>) offsets(%dma_start3A_241 : memref<4000xi32, #tpu.memory_space<vmem>>) semaphore(%dma_start3A_245 : memref<!tpu.dma_semaphore, #tpu.memory_space<semaphore_mem>>) {add = true}
    }
    %scan3A_32 = arith.constant 25 : i32
    %dma_wait3A = arith.constant 1 : i32
    %dma_wait3A_33 = arith.constant 0 : i32
    %dma_wait3A_34 = arith.constant 2 : i32
    %dma_wait3A_35 = arith.constant 1 : i32
    %dma_wait3A_36 = arith.constant 0 : i32
    %dma_wait3A_37 = tpu.memref_slice %arg17[%dma_wait3A, %dma_wait3A_33, %dma_wait3A_36] : memref<2x3x4000xf32, #tpu.memory_space<vmem>> -> memref<1x1x4000xf32, #tpu.memory_space<vmem>>
    %dma_wait3A_38 = tpu.memref_squeeze %dma_wait3A_37 : memref<1x1x4000xf32, #tpu.memory_space<vmem>> -> memref<4000xf32, #tpu.memory_space<vmem>>
    %dma_wait3A_39 = arith.constant 0 : i32
    %dma_wait3A_40 = tpu.memref_slice %arg16[%dma_wait3A_34, %dma_wait3A_39] : memref<3x4000xi32, #tpu.memory_space<vmem>> -> memref<1x4000xi32, #tpu.memory_space<vmem>>
    %dma_wait3A_41 = tpu.memref_squeeze %dma_wait3A_40 : memref<1x4000xi32, #tpu.memory_space<vmem>> -> memref<4000xi32, #tpu.memory_space<vmem>>
    %dma_wait3A_42 = arith.constant 0 : i32
    %dma_wait3A_43 = tpu.memref_slice %arg12[%dma_wait3A_42] : memref<100096xf32, #tpu.memory_space<vmem_shared>> -> memref<100096xf32, #tpu.memory_space<vmem_shared>>
    %dma_wait3A_44 = tpu.memref_slice %arg20[%dma_wait3A_35] : memref<2x!tpu.dma_semaphore, #tpu.memory_space<semaphore_mem>> -> memref<1x!tpu.dma_semaphore, #tpu.memory_space<semaphore_mem>>
    %dma_wait3A_45 = tpu.memref_squeeze %dma_wait3A_44 : memref<1x!tpu.dma_semaphore, #tpu.memory_space<semaphore_mem>> -> memref<!tpu.dma_semaphore, #tpu.memory_space<semaphore_mem>>
    tpu.wait_indirect_dma semaphore(%dma_wait3A_45 : memref<!tpu.dma_semaphore, #tpu.memory_space<semaphore_mem>>) src(%dma_wait3A_38 : memref<4000xf32, #tpu.memory_space<vmem>>) dst(%dma_wait3A_43 : memref<100096xf32, #tpu.memory_space<vmem_shared>>)
    %dma_wait3A_46 = arith.constant 1 : i32
    %dma_wait3A_47 = arith.constant 1 : i32
    %dma_wait3A_48 = arith.constant 2 : i32
    %dma_wait3A_49 = arith.constant 1 : i32
    %dma_wait3A_50 = arith.constant 0 : i32
    %dma_wait3A_51 = tpu.memref_slice %arg17[%dma_wait3A_46, %dma_wait3A_47, %dma_wait3A_50] : memref<2x3x4000xf32, #tpu.memory_space<vmem>> -> memref<1x1x4000xf32, #tpu.memory_space<vmem>>
    %dma_wait3A_52 = tpu.memref_squeeze %dma_wait3A_51 : memref<1x1x4000xf32, #tpu.memory_space<vmem>> -> memref<4000xf32, #tpu.memory_space<vmem>>
    %dma_wait3A_53 = arith.constant 0 : i32
    %dma_wait3A_54 = tpu.memref_slice %arg16[%dma_wait3A_48, %dma_wait3A_53] : memref<3x4000xi32, #tpu.memory_space<vmem>> -> memref<1x4000xi32, #tpu.memory_space<vmem>>
    %dma_wait3A_55 = tpu.memref_squeeze %dma_wait3A_54 : memref<1x4000xi32, #tpu.memory_space<vmem>> -> memref<4000xi32, #tpu.memory_space<vmem>>
    %dma_wait3A_56 = arith.constant 0 : i32
    %dma_wait3A_57 = tpu.memref_slice %arg13[%dma_wait3A_56] : memref<100096xf32, #tpu.memory_space<vmem_shared>> -> memref<100096xf32, #tpu.memory_space<vmem_shared>>
    %dma_wait3A_58 = tpu.memref_slice %arg20[%dma_wait3A_49] : memref<2x!tpu.dma_semaphore, #tpu.memory_space<semaphore_mem>> -> memref<1x!tpu.dma_semaphore, #tpu.memory_space<semaphore_mem>>
    %dma_wait3A_59 = tpu.memref_squeeze %dma_wait3A_58 : memref<1x!tpu.dma_semaphore, #tpu.memory_space<semaphore_mem>> -> memref<!tpu.dma_semaphore, #tpu.memory_space<semaphore_mem>>
    tpu.wait_indirect_dma semaphore(%dma_wait3A_59 : memref<!tpu.dma_semaphore, #tpu.memory_space<semaphore_mem>>) src(%dma_wait3A_52 : memref<4000xf32, #tpu.memory_space<vmem>>) dst(%dma_wait3A_57 : memref<100096xf32, #tpu.memory_space<vmem_shared>>)
    %dma_wait3A_60 = arith.constant 1 : i32
    %dma_wait3A_61 = arith.constant 2 : i32
    %dma_wait3A_62 = arith.constant 2 : i32
    %dma_wait3A_63 = arith.constant 1 : i32
    %dma_wait3A_64 = arith.constant 0 : i32
    %dma_wait3A_65 = tpu.memref_slice %arg17[%dma_wait3A_60, %dma_wait3A_61, %dma_wait3A_64] : memref<2x3x4000xf32, #tpu.memory_space<vmem>> -> memref<1x1x4000xf32, #tpu.memory_space<vmem>>
    %dma_wait3A_66 = tpu.memref_squeeze %dma_wait3A_65 : memref<1x1x4000xf32, #tpu.memory_space<vmem>> -> memref<4000xf32, #tpu.memory_space<vmem>>
    %dma_wait3A_67 = arith.constant 0 : i32
    %dma_wait3A_68 = tpu.memref_slice %arg16[%dma_wait3A_62, %dma_wait3A_67] : memref<3x4000xi32, #tpu.memory_space<vmem>> -> memref<1x4000xi32, #tpu.memory_space<vmem>>
    %dma_wait3A_69 = tpu.memref_squeeze %dma_wait3A_68 : memref<1x4000xi32, #tpu.memory_space<vmem>> -> memref<4000xi32, #tpu.memory_space<vmem>>
    %dma_wait3A_70 = arith.constant 0 : i32
    %dma_wait3A_71 = tpu.memref_slice %arg14[%dma_wait3A_70] : memref<100096xf32, #tpu.memory_space<vmem_shared>> -> memref<100096xf32, #tpu.memory_space<vmem_shared>>
    %dma_wait3A_72 = tpu.memref_slice %arg20[%dma_wait3A_63] : memref<2x!tpu.dma_semaphore, #tpu.memory_space<semaphore_mem>> -> memref<1x!tpu.dma_semaphore, #tpu.memory_space<semaphore_mem>>
    %dma_wait3A_73 = tpu.memref_squeeze %dma_wait3A_72 : memref<1x!tpu.dma_semaphore, #tpu.memory_space<semaphore_mem>> -> memref<!tpu.dma_semaphore, #tpu.memory_space<semaphore_mem>>
    tpu.wait_indirect_dma semaphore(%dma_wait3A_73 : memref<!tpu.dma_semaphore, #tpu.memory_space<semaphore_mem>>) src(%dma_wait3A_66 : memref<4000xf32, #tpu.memory_space<vmem>>) dst(%dma_wait3A_71 : memref<100096xf32, #tpu.memory_space<vmem_shared>>)
    %dma_wait3A_74 = arith.constant 0 : i32
    %dma_wait3A_75 = arith.constant 0 : i32
    %dma_wait3A_76 = arith.constant 0 : i32
    %dma_wait3A_77 = arith.constant 0 : i32
    %dma_wait3A_78 = arith.constant 0 : i32
    %dma_wait3A_79 = tpu.memref_slice %arg17[%dma_wait3A_74, %dma_wait3A_75, %dma_wait3A_78] : memref<2x3x4000xf32, #tpu.memory_space<vmem>> -> memref<1x1x4000xf32, #tpu.memory_space<vmem>>
    %dma_wait3A_80 = tpu.memref_squeeze %dma_wait3A_79 : memref<1x1x4000xf32, #tpu.memory_space<vmem>> -> memref<4000xf32, #tpu.memory_space<vmem>>
    %dma_wait3A_81 = arith.constant 0 : i32
    %dma_wait3A_82 = tpu.memref_slice %arg16[%dma_wait3A_76, %dma_wait3A_81] : memref<3x4000xi32, #tpu.memory_space<vmem>> -> memref<1x4000xi32, #tpu.memory_space<vmem>>
    %dma_wait3A_83 = tpu.memref_squeeze %dma_wait3A_82 : memref<1x4000xi32, #tpu.memory_space<vmem>> -> memref<4000xi32, #tpu.memory_space<vmem>>
    %dma_wait3A_84 = arith.constant 0 : i32
    %dma_wait3A_85 = tpu.memref_slice %arg12[%dma_wait3A_84] : memref<100096xf32, #tpu.memory_space<vmem_shared>> -> memref<100096xf32, #tpu.memory_space<vmem_shared>>
    %dma_wait3A_86 = tpu.memref_slice %arg20[%dma_wait3A_77] : memref<2x!tpu.dma_semaphore, #tpu.memory_space<semaphore_mem>> -> memref<1x!tpu.dma_semaphore, #tpu.memory_space<semaphore_mem>>
    %dma_wait3A_87 = tpu.memref_squeeze %dma_wait3A_86 : memref<1x!tpu.dma_semaphore, #tpu.memory_space<semaphore_mem>> -> memref<!tpu.dma_semaphore, #tpu.memory_space<semaphore_mem>>
    tpu.wait_indirect_dma semaphore(%dma_wait3A_87 : memref<!tpu.dma_semaphore, #tpu.memory_space<semaphore_mem>>) src(%dma_wait3A_80 : memref<4000xf32, #tpu.memory_space<vmem>>) dst(%dma_wait3A_85 : memref<100096xf32, #tpu.memory_space<vmem_shared>>)
    %dma_wait3A_88 = arith.constant 0 : i32
    %dma_wait3A_89 = arith.constant 1 : i32
    %dma_wait3A_90 = arith.constant 0 : i32
    %dma_wait3A_91 = arith.constant 0 : i32
    %dma_wait3A_92 = arith.constant 0 : i32
    %dma_wait3A_93 = tpu.memref_slice %arg17[%dma_wait3A_88, %dma_wait3A_89, %dma_wait3A_92] : memref<2x3x4000xf32, #tpu.memory_space<vmem>> -> memref<1x1x4000xf32, #tpu.memory_space<vmem>>
    %dma_wait3A_94 = tpu.memref_squeeze %dma_wait3A_93 : memref<1x1x4000xf32, #tpu.memory_space<vmem>> -> memref<4000xf32, #tpu.memory_space<vmem>>
    %dma_wait3A_95 = arith.constant 0 : i32
    %dma_wait3A_96 = tpu.memref_slice %arg16[%dma_wait3A_90, %dma_wait3A_95] : memref<3x4000xi32, #tpu.memory_space<vmem>> -> memref<1x4000xi32, #tpu.memory_space<vmem>>
    %dma_wait3A_97 = tpu.memref_squeeze %dma_wait3A_96 : memref<1x4000xi32, #tpu.memory_space<vmem>> -> memref<4000xi32, #tpu.memory_space<vmem>>
    %dma_wait3A_98 = arith.constant 0 : i32
    %dma_wait3A_99 = tpu.memref_slice %arg13[%dma_wait3A_98] : memref<100096xf32, #tpu.memory_space<vmem_shared>> -> memref<100096xf32, #tpu.memory_space<vmem_shared>>
    %dma_wait3A_100 = tpu.memref_slice %arg20[%dma_wait3A_91] : memref<2x!tpu.dma_semaphore, #tpu.memory_space<semaphore_mem>> -> memref<1x!tpu.dma_semaphore, #tpu.memory_space<semaphore_mem>>
    %dma_wait3A_101 = tpu.memref_squeeze %dma_wait3A_100 : memref<1x!tpu.dma_semaphore, #tpu.memory_space<semaphore_mem>> -> memref<!tpu.dma_semaphore, #tpu.memory_space<semaphore_mem>>
    tpu.wait_indirect_dma semaphore(%dma_wait3A_101 : memref<!tpu.dma_semaphore, #tpu.memory_space<semaphore_mem>>) src(%dma_wait3A_94 : memref<4000xf32, #tpu.memory_space<vmem>>) dst(%dma_wait3A_99 : memref<100096xf32, #tpu.memory_space<vmem_shared>>)
    %dma_wait3A_102 = arith.constant 0 : i32
    %dma_wait3A_103 = arith.constant 2 : i32
    %dma_wait3A_104 = arith.constant 0 : i32
    %dma_wait3A_105 = arith.constant 0 : i32
    %dma_wait3A_106 = arith.constant 0 : i32
    %dma_wait3A_107 = tpu.memref_slice %arg17[%dma_wait3A_102, %dma_wait3A_103, %dma_wait3A_106] : memref<2x3x4000xf32, #tpu.memory_space<vmem>> -> memref<1x1x4000xf32, #tpu.memory_space<vmem>>
    %dma_wait3A_108 = tpu.memref_squeeze %dma_wait3A_107 : memref<1x1x4000xf32, #tpu.memory_space<vmem>> -> memref<4000xf32, #tpu.memory_space<vmem>>
    %dma_wait3A_109 = arith.constant 0 : i32
    %dma_wait3A_110 = tpu.memref_slice %arg16[%dma_wait3A_104, %dma_wait3A_109] : memref<3x4000xi32, #tpu.memory_space<vmem>> -> memref<1x4000xi32, #tpu.memory_space<vmem>>
    %dma_wait3A_111 = tpu.memref_squeeze %dma_wait3A_110 : memref<1x4000xi32, #tpu.memory_space<vmem>> -> memref<4000xi32, #tpu.memory_space<vmem>>
    %dma_wait3A_112 = arith.constant 0 : i32
    %dma_wait3A_113 = tpu.memref_slice %arg14[%dma_wait3A_112] : memref<100096xf32, #tpu.memory_space<vmem_shared>> -> memref<100096xf32, #tpu.memory_space<vmem_shared>>
    %dma_wait3A_114 = tpu.memref_slice %arg20[%dma_wait3A_105] : memref<2x!tpu.dma_semaphore, #tpu.memory_space<semaphore_mem>> -> memref<1x!tpu.dma_semaphore, #tpu.memory_space<semaphore_mem>>
    %dma_wait3A_115 = tpu.memref_squeeze %dma_wait3A_114 : memref<1x!tpu.dma_semaphore, #tpu.memory_space<semaphore_mem>> -> memref<!tpu.dma_semaphore, #tpu.memory_space<semaphore_mem>>
    tpu.wait_indirect_dma semaphore(%dma_wait3A_115 : memref<!tpu.dma_semaphore, #tpu.memory_space<semaphore_mem>>) src(%dma_wait3A_108 : memref<4000xf32, #tpu.memory_space<vmem>>) dst(%dma_wait3A_113 : memref<100096xf32, #tpu.memory_space<vmem_shared>>)
    %barrier3A_116 = arith.constant 0 : index
    tpu.barrier barrier_id(%barrier3A_116)
    %run_scoped3A = arith.constant 0 : i32
    "tpu.region"() ({
      %run_scoped3A_119 = tpu.sem_alloc : memref<!tpu.dma_semaphore, #tpu.memory_space<semaphore_mem>>
      %dma_start3A_120 = tpu.memref_slice %arg8[%arg0, %run_scoped3A, %mul3A_2] : memref<2x3x100096xf32, #tpu.memory_space<hbm>> -> memref<1x1x6256xf32, #tpu.memory_space<hbm>>
      %dma_start3A_121 = tpu.memref_squeeze %dma_start3A_120 : memref<1x1x6256xf32, #tpu.memory_space<hbm>> -> memref<6256xf32, #tpu.memory_space<hbm>>
      %dma_start3A_122 = tpu.memref_slice %arg12[%mul3A_2] : memref<100096xf32, #tpu.memory_space<vmem_shared>> -> memref<6256xf32, #tpu.memory_space<vmem_shared>>
      tpu.enqueue_dma source(%dma_start3A_122 : memref<6256xf32, #tpu.memory_space<vmem_shared>>) target(%dma_start3A_121 : memref<6256xf32, #tpu.memory_space<hbm>>) target_semaphore(%run_scoped3A_119 : memref<!tpu.dma_semaphore, #tpu.memory_space<semaphore_mem>>)
      %dma_wait3A_123 = tpu.memref_slice %arg8[%arg0, %run_scoped3A, %mul3A_2] : memref<2x3x100096xf32, #tpu.memory_space<hbm>> -> memref<1x1x6256xf32, #tpu.memory_space<hbm>>
      %dma_wait3A_124 = tpu.memref_squeeze %dma_wait3A_123 : memref<1x1x6256xf32, #tpu.memory_space<hbm>> -> memref<6256xf32, #tpu.memory_space<hbm>>
      %dma_wait3A_125 = tpu.memref_slice %arg12[%mul3A_2] : memref<100096xf32, #tpu.memory_space<vmem_shared>> -> memref<6256xf32, #tpu.memory_space<vmem_shared>>
      tpu.wait_dma2 semaphore(%run_scoped3A_119 : memref<!tpu.dma_semaphore, #tpu.memory_space<semaphore_mem>>) src(%dma_wait3A_125 : memref<6256xf32, #tpu.memory_space<vmem_shared>>) dst(%dma_wait3A_124 : memref<6256xf32, #tpu.memory_space<hbm>>)
      tpu.yield
    }) : () -> ()
    %run_scoped3A_117 = arith.constant 1 : i32
    "tpu.region"() ({
      %run_scoped3A_119 = tpu.sem_alloc : memref<!tpu.dma_semaphore, #tpu.memory_space<semaphore_mem>>
      %dma_start3A_120 = tpu.memref_slice %arg8[%arg0, %run_scoped3A_117, %mul3A_2] : memref<2x3x100096xf32, #tpu.memory_space<hbm>> -> memref<1x1x6256xf32, #tpu.memory_space<hbm>>
      %dma_start3A_121 = tpu.memref_squeeze %dma_start3A_120 : memref<1x1x6256xf32, #tpu.memory_space<hbm>> -> memref<6256xf32, #tpu.memory_space<hbm>>
      %dma_start3A_122 = tpu.memref_slice %arg13[%mul3A_2] : memref<100096xf32, #tpu.memory_space<vmem_shared>> -> memref<6256xf32, #tpu.memory_space<vmem_shared>>
      tpu.enqueue_dma source(%dma_start3A_122 : memref<6256xf32, #tpu.memory_space<vmem_shared>>) target(%dma_start3A_121 : memref<6256xf32, #tpu.memory_space<hbm>>) target_semaphore(%run_scoped3A_119 : memref<!tpu.dma_semaphore, #tpu.memory_space<semaphore_mem>>)
      %dma_wait3A_123 = tpu.memref_slice %arg8[%arg0, %run_scoped3A_117, %mul3A_2] : memref<2x3x100096xf32, #tpu.memory_space<hbm>> -> memref<1x1x6256xf32, #tpu.memory_space<hbm>>
      %dma_wait3A_124 = tpu.memref_squeeze %dma_wait3A_123 : memref<1x1x6256xf32, #tpu.memory_space<hbm>> -> memref<6256xf32, #tpu.memory_space<hbm>>
      %dma_wait3A_125 = tpu.memref_slice %arg13[%mul3A_2] : memref<100096xf32, #tpu.memory_space<vmem_shared>> -> memref<6256xf32, #tpu.memory_space<vmem_shared>>
      tpu.wait_dma2 semaphore(%run_scoped3A_119 : memref<!tpu.dma_semaphore, #tpu.memory_space<semaphore_mem>>) src(%dma_wait3A_125 : memref<6256xf32, #tpu.memory_space<vmem_shared>>) dst(%dma_wait3A_124 : memref<6256xf32, #tpu.memory_space<hbm>>)
      tpu.yield
    }) : () -> ()
    %run_scoped3A_118 = arith.constant 2 : i32
    "tpu.region"() ({
      %run_scoped3A_119 = tpu.sem_alloc : memref<!tpu.dma_semaphore, #tpu.memory_space<semaphore_mem>>
      %dma_start3A_120 = tpu.memref_slice %arg8[%arg0, %run_scoped3A_118, %mul3A_2] : memref<2x3x100096xf32, #tpu.memory_space<hbm>> -> memref<1x1x6256xf32, #tpu.memory_space<hbm>>
      %dma_start3A_121 = tpu.memref_squeeze %dma_start3A_120 : memref<1x1x6256xf32, #tpu.memory_space<hbm>> -> memref<6256xf32, #tpu.memory_space<hbm>>
      %dma_start3A_122 = tpu.memref_slice %arg14[%mul3A_2] : memref<100096xf32, #tpu.memory_space<vmem_shared>> -> memref<6256xf32, #tpu.memory_space<vmem_shared>>
      tpu.enqueue_dma source(%dma_start3A_122 : memref<6256xf32, #tpu.memory_space<vmem_shared>>) target(%dma_start3A_121 : memref<6256xf32, #tpu.memory_space<hbm>>) target_semaphore(%run_scoped3A_119 : memref<!tpu.dma_semaphore, #tpu.memory_space<semaphore_mem>>)
      %dma_wait3A_123 = tpu.memref_slice %arg8[%arg0, %run_scoped3A_118, %mul3A_2] : memref<2x3x100096xf32, #tpu.memory_space<hbm>> -> memref<1x1x6256xf32, #tpu.memory_space<hbm>>
      %dma_wait3A_124 = tpu.memref_squeeze %dma_wait3A_123 : memref<1x1x6256xf32, #tpu.memory_space<hbm>> -> memref<6256xf32, #tpu.memory_space<hbm>>
      %dma_wait3A_125 = tpu.memref_slice %arg14[%mul3A_2] : memref<100096xf32, #tpu.memory_space<vmem_shared>> -> memref<6256xf32, #tpu.memory_space<vmem_shared>>
      tpu.wait_dma2 semaphore(%run_scoped3A_119 : memref<!tpu.dma_semaphore, #tpu.memory_space<semaphore_mem>>) src(%dma_wait3A_125 : memref<6256xf32, #tpu.memory_space<vmem_shared>>) dst(%dma_wait3A_124 : memref<6256xf32, #tpu.memory_space<hbm>>)
      tpu.yield
    }) : () -> ()
    return
  }
}

module attributes {stable_mosaic.version = 14 : i64} {
  func.func @_mlp_body(%arg0: i32, %arg1: memref<4096x3xf32, #tpu.memory_space<vmem>>, %arg2: memref<2x3x4096xf32, #tpu.memory_space<vmem>>, %arg3: memref<3x16xf32, #tpu.memory_space<vmem>>, %arg4: memref<3x16xf32, #tpu.memory_space<vmem>>, %arg5: memref<1x16xf32, #tpu.memory_space<vmem>>, %arg6: memref<16x16xf32, #tpu.memory_space<vmem>>, %arg7: memref<1x16xf32, #tpu.memory_space<vmem>>, %arg8: memref<16x3xf32, #tpu.memory_space<vmem>>, %arg9: memref<1x3xf32, #tpu.memory_space<vmem>>, %arg10: memref<4096x3xf32, #tpu.memory_space<vmem>>) attributes {dimension_semantics = [#tpu.dimension_semantics<arbitrary>], iteration_bounds = array<i64: 25>, scalar_prefetch = 0 : i64, scratch_operands = 0 : i64, tpu.core_type = #tpu.core_type<tc>, window_params = [{transform_indices = @transform_0, window_bounds = array<i64: 4096, 3>}, {transform_indices = @transform_1, window_bounds = array<i64: 2, 3, 4096>}, {pipeline_mode = #tpu.pipeline_mode<synchronous>, transform_indices = @transform_2, window_bounds = array<i64: 3, 16>}, {pipeline_mode = #tpu.pipeline_mode<synchronous>, transform_indices = @transform_3, window_bounds = array<i64: 3, 16>}, {pipeline_mode = #tpu.pipeline_mode<synchronous>, transform_indices = @transform_4, window_bounds = array<i64: 1, 16>}, {pipeline_mode = #tpu.pipeline_mode<synchronous>, transform_indices = @transform_5, window_bounds = array<i64: 16, 16>}, {pipeline_mode = #tpu.pipeline_mode<synchronous>, transform_indices = @transform_6, window_bounds = array<i64: 1, 16>}, {pipeline_mode = #tpu.pipeline_mode<synchronous>, transform_indices = @transform_7, window_bounds = array<i64: 16, 3>}, {pipeline_mode = #tpu.pipeline_mode<synchronous>, transform_indices = @transform_8, window_bounds = array<i64: 1, 3>}, {transform_indices = @transform_9, window_bounds = array<i64: 4096, 3>}]} {
    %get3A = arith.constant 0 : index
    %get3A_0 = arith.constant 0 : index
    %get3A_1 = arith.constant 0 : index
    %get3A_2 = vector.load %arg2[%get3A, %get3A_0, %get3A_1] : memref<2x3x4096xf32, #tpu.memory_space<vmem>>, vector<1x3x4096xf32>
    %get3A_3 = vector.shape_cast %get3A_2 : vector<1x3x4096xf32> to vector<3x4096xf32>
    %get3A_4 = arith.constant 1 : index
    %get3A_5 = arith.constant 0 : index
    %get3A_6 = arith.constant 0 : index
    %get3A_7 = vector.load %arg2[%get3A_4, %get3A_5, %get3A_6] : memref<2x3x4096xf32, #tpu.memory_space<vmem>>, vector<1x3x4096xf32>
    %get3A_8 = vector.shape_cast %get3A_7 : vector<1x3x4096xf32> to vector<3x4096xf32>
    %add3A = arith.addf %get3A_3, %get3A_8 : vector<3x4096xf32>
    %get3A_9 = arith.constant 0 : index
    %get3A_10 = arith.constant 0 : index
    %get3A_11 = vector.load %arg1[%get3A_9, %get3A_10] : memref<4096x3xf32, #tpu.memory_space<vmem>>, vector<4096x3xf32>
    %get3A_12 = arith.constant 0 : index
    %get3A_13 = arith.constant 0 : index
    %get3A_14 = vector.load %arg3[%get3A_12, %get3A_13] : memref<3x16xf32, #tpu.memory_space<vmem>>, vector<3x16xf32>
    %dot_general3A = arith.constant dense<0.000000e+00> : vector<4096x16xf32>
    %dot_general3A_15 = tpu.matmul %get3A_11, %get3A_14, %dot_general3A {dimension_numbers = #tpu.dot_dimension_numbers<[1], [0], [0], [1], [0, 0, 1, 1], [], []>, transpose_lhs_hint = false} : vector<4096x3xf32>, vector<3x16xf32>, vector<4096x16xf32> -> vector<4096x16xf32>
    %get3A_16 = arith.constant 0 : index
    %get3A_17 = arith.constant 0 : index
    %get3A_18 = vector.load %arg4[%get3A_16, %get3A_17] : memref<3x16xf32, #tpu.memory_space<vmem>>, vector<3x16xf32>
    %dot_general3A_19 = arith.constant dense<0.000000e+00> : vector<4096x16xf32>
    %dot_general3A_20 = tpu.matmul %add3A, %get3A_18, %dot_general3A_19 {dimension_numbers = #tpu.dot_dimension_numbers<[0], [0], [1], [1], [0, 1, 1, 1], [], []>, transpose_lhs_hint = false} : vector<3x4096xf32>, vector<3x16xf32>, vector<4096x16xf32> -> vector<4096x16xf32>
    %add3A_21 = arith.addf %dot_general3A_15, %dot_general3A_20 : vector<4096x16xf32>
    %get3A_22 = arith.constant 0 : index
    %get3A_23 = arith.constant 0 : index
    %get3A_24 = vector.load %arg5[%get3A_22, %get3A_23] : memref<1x16xf32, #tpu.memory_space<vmem>>, vector<1x16xf32>
    %add3A_25 = vector.broadcast %get3A_24 : vector<1x16xf32> to vector<4096x16xf32>
    %add3A_26 = arith.addf %add3A_21, %add3A_25 : vector<4096x16xf32>
    %max3A = arith.constant 0.000000e+00 : f32
    %max3A_27 = vector.broadcast %max3A : f32 to vector<4096x16xf32>
    %max3A_28 = arith.maximumf %add3A_26, %max3A_27 : vector<4096x16xf32>
    %get3A_29 = arith.constant 0 : index
    %get3A_30 = arith.constant 0 : index
    %get3A_31 = vector.load %arg6[%get3A_29, %get3A_30] : memref<16x16xf32, #tpu.memory_space<vmem>>, vector<16x16xf32>
    %dot_general3A_32 = arith.constant dense<0.000000e+00> : vector<4096x16xf32>
    %dot_general3A_33 = tpu.matmul %max3A_28, %get3A_31, %dot_general3A_32 {dimension_numbers = #tpu.dot_dimension_numbers<[1], [0], [0], [1], [0, 0, 1, 1], [], []>, transpose_lhs_hint = false} : vector<4096x16xf32>, vector<16x16xf32>, vector<4096x16xf32> -> vector<4096x16xf32>
    %get3A_34 = arith.constant 0 : index
    %get3A_35 = arith.constant 0 : index
    %get3A_36 = vector.load %arg7[%get3A_34, %get3A_35] : memref<1x16xf32, #tpu.memory_space<vmem>>, vector<1x16xf32>
    %add3A_37 = vector.broadcast %get3A_36 : vector<1x16xf32> to vector<4096x16xf32>
    %add3A_38 = arith.addf %dot_general3A_33, %add3A_37 : vector<4096x16xf32>
    %max3A_39 = arith.constant 0.000000e+00 : f32
    %max3A_40 = vector.broadcast %max3A_39 : f32 to vector<4096x16xf32>
    %max3A_41 = arith.maximumf %add3A_38, %max3A_40 : vector<4096x16xf32>
    %get3A_42 = arith.constant 0 : index
    %get3A_43 = arith.constant 0 : index
    %get3A_44 = vector.load %arg8[%get3A_42, %get3A_43] : memref<16x3xf32, #tpu.memory_space<vmem>>, vector<16x3xf32>
    %dot_general3A_45 = arith.constant dense<0.000000e+00> : vector<4096x3xf32>
    %dot_general3A_46 = tpu.matmul %max3A_41, %get3A_44, %dot_general3A_45 {dimension_numbers = #tpu.dot_dimension_numbers<[1], [0], [0], [1], [0, 0, 1, 1], [], []>, transpose_lhs_hint = false} : vector<4096x16xf32>, vector<16x3xf32>, vector<4096x3xf32> -> vector<4096x3xf32>
    %get3A_47 = arith.constant 0 : index
    %get3A_48 = arith.constant 0 : index
    %get3A_49 = vector.load %arg9[%get3A_47, %get3A_48] : memref<1x3xf32, #tpu.memory_space<vmem>>, vector<1x3xf32>
    %add3A_50 = vector.broadcast %get3A_49 : vector<1x3xf32> to vector<4096x3xf32>
    %add3A_51 = arith.addf %dot_general3A_46, %add3A_50 : vector<4096x3xf32>
    %swap3A = arith.constant 0 : index
    %swap3A_52 = arith.constant 0 : index
    %swap3A_53 = vector.load %arg10[%swap3A, %swap3A_52] : memref<4096x3xf32, #tpu.memory_space<vmem>>, vector<4096x3xf32>
    tpu.vector_store %arg10[%swap3A, %swap3A_52], %add3A_51 {strides = array<i32>} : memref<4096x3xf32, #tpu.memory_space<vmem>>, vector<4096x3xf32>,
    return
  }
  func.func @transform_0(%arg0: i32) -> (i32, i32) {
    %c0_i32 = arith.constant 0 : i32
    %c0_i32_0 = arith.constant 0 : i32
    return %arg0, %c0_i32 : i32, i32
  }
  func.func @transform_1(%arg0: i32) -> (i32, i32, i32) {
    %c0_i32 = arith.constant 0 : i32
    %c0_i32_0 = arith.constant 0 : i32
    %c0_i32_1 = arith.constant 0 : i32
    return %c0_i32, %c0_i32_0, %arg0 : i32, i32, i32
  }
  func.func @transform_2(%arg0: i32) -> (i32, i32) {
    %c0_i32 = arith.constant 0 : i32
    %c0_i32_0 = arith.constant 0 : i32
    %c0_i32_1 = arith.constant 0 : i32
    return %c0_i32, %c0_i32_0 : i32, i32
  }
  func.func @transform_3(%arg0: i32) -> (i32, i32) {
    %c0_i32 = arith.constant 0 : i32
    %c0_i32_0 = arith.constant 0 : i32
    %c0_i32_1 = arith.constant 0 : i32
    return %c0_i32, %c0_i32_0 : i32, i32
  }
  func.func @transform_4(%arg0: i32) -> (i32, i32) {
    %c0_i32 = arith.constant 0 : i32
    %c0_i32_0 = arith.constant 0 : i32
    %c0_i32_1 = arith.constant 0 : i32
    return %c0_i32, %c0_i32_0 : i32, i32
  }
  func.func @transform_5(%arg0: i32) -> (i32, i32) {
    %c0_i32 = arith.constant 0 : i32
    %c0_i32_0 = arith.constant 0 : i32
    %c0_i32_1 = arith.constant 0 : i32
    return %c0_i32, %c0_i32_0 : i32, i32
  }
  func.func @transform_6(%arg0: i32) -> (i32, i32) {
    %c0_i32 = arith.constant 0 : i32
    %c0_i32_0 = arith.constant 0 : i32
    %c0_i32_1 = arith.constant 0 : i32
    return %c0_i32, %c0_i32_0 : i32, i32
  }
  func.func @transform_7(%arg0: i32) -> (i32, i32) {
    %c0_i32 = arith.constant 0 : i32
    %c0_i32_0 = arith.constant 0 : i32
    %c0_i32_1 = arith.constant 0 : i32
    return %c0_i32, %c0_i32_0 : i32, i32
  }
  func.func @transform_8(%arg0: i32) -> (i32, i32) {
    %c0_i32 = arith.constant 0 : i32
    %c0_i32_0 = arith.constant 0 : i32
    %c0_i32_1 = arith.constant 0 : i32
    return %c0_i32, %c0_i32_0 : i32, i32
  }
  func.func @transform_9(%arg0: i32) -> (i32, i32) {
    %c0_i32 = arith.constant 0 : i32
    %c0_i32_0 = arith.constant 0 : i32
    return %arg0, %c0_i32 : i32, i32
  }
}

</mosaic_0001>

<sc_bundles>
// kernel: kernel.4.cloned.1.call-start
scs
__scs_entry_jumppad:
0x0: {  	(pc) =	sbr.rel $0x88, $3  }
0x1: {  	(tag) =	ssettag $0x0;
	lr =	simm.s32 $0x1  }
0x2: {  	[smem:$0x3F99] =	sst lr;
	_ =	strace $0xD0000000  }
0x3: {  	_ = 	snop  }
0x4: {  	_ = 	snop  }
0x5: {  	_ = 	snop  }
0x6: {  	_ = 	snop  }
0x7: {  	_ = 	snop  }
__scs_overlays_trampoline_lowered:
0x8: {  	[smem:$0x3FA8] =	sst s0  }
0x9: {  	[smem:$0x3FA9] =	sst s1  }
0xa: {  	[smem:$0x3FAA] =	sst s2  }
0xb: {  	[smem:$0x3FAB] =	sst s3  }
0xc: {  	[smem:$0x3FAC] =	sst s4  }
0xd: {  	[smem:$0x3FAD] =	sst s5  }
0xe: {  	[smem:$0x3FAE] =	sst s6  }
0xf: {  	[smem:$0x3FAF] =	sst s7  }
0x10: {  	[smem:$0x3FB0] =	sst s8  }
0x11: {  	[smem:$0x3FB1] =	sst s9;
	s0 =	simm.s32 @!p0 $0x0  }
0x12: {  	s1 =	sld [smem:$0x3F97];
	s0 =	simm.s32 @p0 $0x1  }
0x13: {  	[smem:$0x3FB2] =	sst s0;
	s0 =	simm.s32 @!p1 $0x0  }
0x14: {  	s2 =	sld [smem:$0x3F96];
	s0 =	simm.s32 @p1 $0x1  }
0x15: {  	[smem:$0x3FB3] =	sst s0;
	s0 =	simm.s32 @!p2 $0x0  }
0x16: {  	s3 =	sld [smem:$0x3FDB];
	s0 =	simm.s32 @p2 $0x1  }
0x17: {  	s4 =	simm.s32 $0x1BF5;
	[smem:$0x3FB5] =	sst s0  }
0x18: {  	s0 =	sld [smem:$0x3F98];
	_ =	swait.ge [sflag:s4], $0x0  }
0x19: {  	s7 =	sld [smem:$0x3F99]  }
0x1a: {  	s8 =	sadd.s32 $0xFFFFE003, lr  }
0x1b: {  	s9 =	sadd.s32 $0xFFFFFEF7, lr;
	s5 =	simm.s32 $0xFFFFFFFF;
	p2 =	slt.u32 s8, $0xFFFFF086  }
0x1c: {  	p1 =	slt.u32 s9, $0xF7A;
	s5 =	simm.s32 @!p2 $0x0  }
0x1d: {  	s5 =	simm.s32 @p1 $0x1;
	p0 =	seq.s32 s7, s2  }
0x1e: {  	s7 =	smul.u32 @!p0 $0xF7A, s2;
	p2 =	seq.s32 @!p0 s5, $0x0  }
0x1f: {  	s9 =	smul.u32 $0xF7A, s1;
	s8 =	simm.s32 @!p0 $0x1BF5;
	p2 =	por !p2, p0  }
0x20: {  	[sflag:s8] =	ssyncset.s32 @!p0 $0xFFFFF086;
	s6 =	sadd.s32 @!p0 s3, s7;
	s7 =	simm.s32 @!p0 $0x108  }
0x21: {  	s3 =	sadd.s32 s3, s9;
	s6 =	sadd.s32 @!p0 $0x88, s6;
	s7 =	simm.s32 @p2 $0x1082  }
0x22: {  	[simem:s7], [sflag:s8] =	dma.local @!p0 [hbm:s6], $0xF7A  }
0x23: {  	s9 =	sor.u32 $0xD0000000, s2;
	s6 =	simm.s32 $0x108;
	_ =	swait.ge @!p0 [sflag:s8], $0x0  }
0x24: {  	s3 =	sadd.s32 $0x88, s3;
	s6 =	simm.s32 @!p1 $0x1082;
	[sflag:s4] =	ssyncset.s32 $0xFFFFF086  }
0x25: {  	[simem:s6], [sflag:s4] =	dma.local [hbm:s3], $0xF7A  }
0x26: {  	[smem:$0x3F99] =	sst s1;
	(tag) =	ssettag s2;
	_ =	strace s9  }
0x27: {  	s1 =	sld [smem:$0x3FA9]  }
0x28: {  	s2 =	sld [smem:$0x3FAA]  }
0x29: {  	s4 =	sld [smem:$0x3FAC]  }
0x2a: {  	p0 =	seq.s32 s5, $0x0;
	s5 =	sld [smem:$0x3FAD]  }
0x2b: {  	s6 =	sld [smem:$0x3FAE]  }
0x2c: {  	s7 =	sld [smem:$0x3FAF]  }
0x2d: {  	s3 =	simm.s32 $0x108;
	s8 =	sld [smem:$0x3FB0]  }
0x2e: {  	s3 =	simm.s32 @!p0 $0x1082;
	s9 =	sld [smem:$0x3FB1]  }
0x2f: {  	lr =	sadd.s32 s0, s3;
	s0 =	sld [smem:$0x3FA8]  }
0x30: {  	s3 =	sld [smem:$0x3FAB]  }
0x31: {  	[smem:$0x3FB4] =	sst s10  }
0x32: {  	s10 =	sld [smem:$0x3FB2];
	_ =	sdelay $0x3  }
0x33: {  	p0 =	seq.s32 s10, $0x1;
	s10 =	sld [smem:$0x3FB4];
	_ =	sdelay $0x3  }
0x34: {  	[smem:$0x3FB4] =	sst s10  }
0x35: {  	s10 =	sld [smem:$0x3FB3];
	_ =	sdelay $0x3  }
0x36: {  	p1 =	seq.s32 s10, $0x1;
	s10 =	sld [smem:$0x3FB4];
	_ =	sdelay $0x3  }
0x37: {  	[smem:$0x3FB4] =	sst s10  }
0x38: {  	s10 =	sld [smem:$0x3FB5]  }
0x39: {  	_ = 	snop;
	(pc) =	sbr.ind lr, $3  }
0x3a: {  	_ = 	snop  }
0x3b: {  	_ = 	snop  }
0x3c: {  	p2 =	seq.s32 s10, $0x1;
	s10 =	sld [smem:$0x3FB4]  }
0x3d: {  	_ =	shalt  }
0x3e: {  	_ =	shalt  }
0x3f: {  	_ =	shalt  }
0x40: {  	_ =	shalt  }
0x41: {  	_ =	shalt  }
0x42: {  	_ =	shalt  }
0x43: {  	_ =	shalt  }
0x44: {  	_ =	shalt  }
0x45: {  	_ =	shalt  }
0x46: {  	_ =	shalt  }
0x47: {  	_ =	shalt  }
0x48: {  	_ =	shalt  }
0x49: {  	_ =	shalt  }
0x4a: {  	_ =	shalt  }
0x4b: {  	_ =	shalt  }
0x4c: {  	_ =	shalt  }
0x4d: {  	_ =	shalt  }
0x4e: {  	_ =	shalt  }
0x4f: {  	_ =	shalt  }
0x50: {  	_ =	shalt  }
0x51: {  	_ =	shalt  }
0x52: {  	_ =	shalt  }
0x53: {  	_ =	shalt  }
0x54: {  	_ =	shalt  }
0x55: {  	_ =	shalt  }
0x56: {  	_ =	shalt  }
0x57: {  	_ =	shalt  }
0x58: {  	_ =	shalt  }
0x59: {  	_ =	shalt  }
0x5a: {  	_ =	shalt  }
0x5b: {  	_ =	shalt  }
0x5c: {  	_ =	shalt  }
0x5d: {  	_ =	shalt  }
0x5e: {  	_ =	shalt  }
0x5f: {  	_ =	shalt  }
0x60: {  	_ =	shalt  }
0x61: {  	_ =	shalt  }
0x62: {  	_ =	shalt  }
0x63: {  	_ =	shalt  }
0x64: {  	_ =	shalt  }
0x65: {  	_ =	shalt  }
0x66: {  	_ =	shalt  }
0x67: {  	_ =	shalt  }
0x68: {  	_ =	shalt  }
0x69: {  	_ =	shalt  }
0x6a: {  	_ =	shalt  }
0x6b: {  	_ =	shalt  }
0x6c: {  	_ =	shalt  }
0x6d: {  	_ =	shalt  }
0x6e: {  	_ =	shalt  }
0x6f: {  	_ =	shalt  }
0x70: {  	_ =	shalt  }
0x71: {  	_ =	shalt  }
0x72: {  	_ =	shalt  }
0x73: {  	_ =	shalt  }
0x74: {  	_ =	shalt  }
0x75: {  	_ =	shalt  }
0x76: {  	_ =	shalt  }
0x77: {  	_ =	shalt  }
0x78: {  	_ =	shalt  }
0x79: {  	_ =	shalt  }
0x7a: {  	_ =	shalt  }
0x7b: {  	_ =	shalt  }
0x7c: {  	_ =	shalt  }
0x7d: {  	_ =	shalt  }
0x7e: {  	_ =	shalt  }
0x7f: {  	_ =	shalt  }
0x80: {  	_ =	shalt  }
0x81: {  	_ =	shalt  }
0x82: {  	_ =	shalt  }
0x83: {  	_ =	shalt  }
0x84: {  	_ =	shalt  }
0x85: {  	_ =	shalt  }
0x86: {  	_ =	shalt  }
0x87: {  	_ =	shalt  }
.Lfunc_end0:
.L_simem_size_0:
called_computation_lowered:
.L_overlay_start_0:
0x88: {  	s2 =	sld [smem:$0x3FD9]  }
0x89: {  	s3 =	sld [smem:$0x3FFE];
	_ =	sdelay $0x1  }
0x8a: {  	s1 =	srdreg.scid  }
0x8b: {  	s0 =	sand.u32 $0x1, s1  }
0x8c: {  	s17 =	sshll.u32 s0, $0xA;
	s2 =	sadd.s32 s3, s2  }
0x8d: {  	s2 =	sadd.s32 s2, s17  }
0x8e: {  	[smem:$0x3FC0] =	sst s2  }
0x8f: {  	_ = 	snop  }
0x90: {  	s2 =	sld [smem:$0x3FD0];
	(tm) =	ssettm $0x1  }
0x91: {  	s18 =	sld [smem:$0x3FFB];
	_ =	sdelay $0x3  }
0x92: {  	_ =	strace s18  }
0x93: {  	s3 =	sld [smem:$0x3FFC];
	_ =	sdelay $0x3  }
0x94: {  	_ =	strace s3  }
0x95: {  	s3 =	sld [smem:$0x3FFD];
	_ =	sdelay $0x3  }
0x96: {  	_ =	strace s3  }
0x97: {  	_ =	strace $0x8FFFFFFF  }
0x98: {  	s19 =	sld [smem:$0x3FDB];
	_ =	sdelay $0x1  }
0x99: {  	s4 =	simm.s32 $_scs_section_size  }
0x9a: {  	s5 =	simm.s32 $_size__tile_overlayer_lowered;
	s6 =	simm.s32 $_tile_overlayer_lowered  }
0x9b: {  	s22 =	simm.s32 $0x1BFF;
	s21 =	sshll.u32 s6, $0x1;
	s3 =	sadd.s32 s4, s19  }
0x9c: {  	s7 =	simm.s32 $0x0;
	s20 =	sshll.u32 s5, $0x1;
	s5 =	sadd.s32 s21, s3  }
0x9d: {  	[timem:s7], [sflag:s22] =	dma.local [hbm:s5], s20  }
0x9e: {  	_ =	swait.ge [sflag:s22], s20  }
0x9f: {  	s4 =	ssub.s32 $0x0, s20;
	[sflag:s22] =	ssyncset.done $0x0  }
0xa0: {  	[sflag:s22] =	ssyncadd.s32 s4;
	_ =	sdelay $0x1  }
0xa1: {  	s23 =	simm.s32 $0x1B8B  }
0xa2: {  	_ =	swait.ge [sflag:s23], $0x1  }
0xa3: {  	[sflag:s23] =	ssyncset.done $0x0  }
0xa4: {  	s25 =	simm.s32 $0x1B8E;
	s24 =	sld [smem:$0x3FFE];
	[sflag:s23] =	ssyncadd.s32 $0xFFFFFFFF  }
0xa5: {  	s26 =	simm.s32 $execute0_lowered;
	[smem:$0x3FD2] =	sst s25  }
0xa6: {  	s5 =	sshll.u32 s26, $0x1;
	_ =	strace $0x80000046;
	[dreg:$0x1] =	wrdreg $0xFFFFFFFF  }
0xa7: {  	s28 =	simm.s32 $_size_execute0_lowered;
	s3 =	sadd.s32 s3, s5;
	[dreg:$0x0] =	wrdreg $0x0  }
0xa8: {  	s5 =	sshll.u32 s28, $0x1;
	[dreg:$0x2] =	wrdreg s3  }
0xa9: {  	[dreg:$0x3] =	wrdreg s5  }
0xaa: {  	[dreg:$0x4] =	wrdreg $0xC0  }
0xab: {  	_ =	task [dreg:s7], $0x5FFFF  }
0xac: {  	[dreg:$0x1] =	wrdreg $0xFFFFFFFF  }
0xad: {  	[dreg:$0x0] =	wrdreg $0x60  }
0xae: {  	[dreg:$0x2] =	wrdreg s2  }
0xaf: {  	[dreg:$0x3] =	wrdreg s24  }
0xb0: {  	[dreg:$0x4] =	wrdreg $0x0  }
0xb1: {  	[dreg:$0x5] =	wrdreg $0x18700  }
0xb2: {  	[dreg:$0x6] =	wrdreg $0x30E00  }
0xb3: {  	[dreg:$0x7] =	wrdreg $0x49500  }
0xb4: {  	[dreg:$0x8] =	wrdreg $0x61C00  }
0xb5: {  	[dreg:$0x9] =	wrdreg $0x7A300  }
0xb6: {  	[dreg:$0xa] =	wrdreg $0x9  }
0xb7: {  	_ =	task.clear_ibuf [dreg:s7], $0xBFFFF;
	_ =	strace $0x90000046  }
0xb8: {  	s29 =	simm.s32 $0x9;
	_ =	strace $0x80000048  }
0xb9: {  	_ =	swait.ge [sflag:s29], $0x1  }
0xba: {  	[sflag:s29] =	ssyncadd.s32 $0xFFFFFFFF  }
0xbb: {  	_ =	strace $0x90000048  }
0xbc: {  	_ =	sfence  }
0xbd: {  	s30 =	sld [smem:$0x0];
	_ =	sdelay $0x2  }
0xbe: {  	s31 =	sshll.u32 s1, $0xD;
	s1 =	sshrl.u32 s1, $0x2  }
0xbf: {  	s3 =	sand.u32 $0x4000, s31;
	s1 =	sadd.s32 s1, s30  }
0xc0: {  	s0 =	sor.u32 s3, s0;
	s1 =	sshll.u32 s1, $0x11  }
0xc1: {  	s0 =	sor.u32 s1, s0  }
0xc2: {  	s0 =	sadd.s32 $0x8F2B, s0  }
0xc3: {  	[sflag:s0] =	ssyncadd.remote.s32 $0x1  }
0xc4: {  	_ =	sfence.sel $0xFFFF  }
0xc5: {  	[dreg:$0x0] =	wrdreg $0xFFFFFFFF;
	(pc) =	sbr.abs _section_cstart, $3  }
0xc6: {  	[dreg:$0x1] =	wrdreg $0xFFFFFFFF  }
0xc7: {  	_ =	task.clear_ibuf [dreg:s7], $0x2FFFF;
	_ =	strace $0x9FFFFFFF  }
0xc8: {  	(tm) =	ssettm $0x7FFFFFFF  }
0xc9: {  	_ =	shalt  }
tec
execute0_lowered:
.L_overlay_start_1:
0x0: {  	(tag) =	ssettag $0x1  }
0x1: {  	s0 =	rddreg [dreg:$0x0]  }
0x2: {  	s4 =	rddreg [dreg:$0x1]  }
0x3: {  	s1 =	rddreg [dreg:$0x2]  }
0x4: {  	s2 =	rddreg [dreg:$0x3]  }
0x5: {  	s3 =	rddreg [dreg:$0x4]  }
0x6: {  	s5 =	rddreg [dreg:$0x5]  }
0x7: {  	s6 =	rddreg [dreg:$0x6]  }
0x8: {  	s7 =	rddreg [dreg:$0x7]  }
0x9: {  	s18 =	stileid.u32;
	s9 =	srdreg.scid  }
0xa: {  	s8 =	simm.s32 $0x0;
	s30 =	simm.s32 $0x6;
	s31 =	simm.s32 $0x3  }
0xb: {  	s11 =	smul.u32 $0x1870, s18;
	s13 =	sand.u32 $0x1, s9;
	[smem:$0x7FF] =	sst s8  }
0xc: {  	s9 =	sadd.s32 $0x68800, s4;
	s10 =	sadd.s32 $0x6C00, s4;
	s25 =	smul.u32 $0x186A0, s18  }
0xd: {  	s22 =	sshll.u32 s18, $0x6;
	s12 =	smul.u32 $0x49500, s13;
	_ =	strace $0x80000047  }
0xe: {  	s15 =	ssub.s32 $0x2, s13;
	s20 =	sshll.u32 s13, $0x4;
	s23 =	smul.u32 $0x186A00, s13  }
0xf: {  	s14 =	sshrl.u32 s11, $0x3;
	s17 =	sshrl.u32 s15, $0x1;
	s21 =	sor.u32 s18, s20  }
0x10: {  	s19 =	sadd.s32 s11, s1;
	s13 =	sadd.s32 s11, s2;
	s28 =	sadd.s32 s11, s5  }
0x11: {  	s20 =	sadd.s32 s11, s3;
	s18 =	sadd.s32 s11, s6;
	[dreg:$0xc] =	wrdreg s28  }
0x12: {  	s12 =	sadd.s32 s11, s12;
	s0 =	sadd.s32 s0, s14;
	[dreg:$0xd] =	wrdreg s18  }
0x13: {  	s16 =	sadd.s32 s14, s4;
	s11 =	sadd.s32 s11, s7;
	[dreg:$0x9] =	wrdreg s0  }
0x14: {  	s15 =	ssub.s32 s15, s17;
	s28 =	sshrl.u32 s13, $0x3;
	[dreg:$0xe] =	wrdreg s11  }
0x15: {  	s17 =	smul.u32 $0x186A0, s21;
	s24 =	sadd.s32 $0x3A00, s16;
	[dreg:$0x17] =	wrdreg s28  }
0x16: {  	s12 =	sshrl.u32 s12, $0x3;
	s26 =	sadd.s32 $0x800, s16;
	[dreg:$0xa] =	wrdreg s24  }
0x17: {  	s0 =	sadd.s32 s25, s23;
	s25 =	smax.u32 s15, $0x1;
	[dreg:$0xb] =	wrdreg s26  }
0x18: {  	s4 =	sadd.s32 s12, s4;
	[dreg:$0x14] =	wrdreg s25;
	s0 =	sadd.s32 $0xFA0, s0  }
0x19: {  	s21 =	sshrl.u32 s17, $0x3;
	s26 =	sshrl.u32 s19, $0x3;
	[dreg:$0x15] =	wrdreg s0  }
0x1a: {  	s12 =	sor.u32 $0x1C06, s22;
	s22 =	sadd.s32 s9, s21;
	[dreg:$0x16] =	wrdreg s26  }
0x1b: {  	s29 =	sshrl.u32 s20, $0x3;
	s11 =	sadd.s32 s10, s21;
	[dreg:$0xf] =	wrdreg s22  }
0x1c: {  	s13 =	simm.s32 $0x0;
	s23 =	sadd.s32 $0xCD600, s4;
	[dreg:$0x10] =	wrdreg s11  }
0x1d: {  	s16 =	sadd.s32 $0xCA400, s16;
	s24 =	sadd.s32 $0xD06E0, s4;
	[dreg:$0x11] =	wrdreg s23  }
0x1e: {  	s4 =	sadd.s32 $0xD37C0, s4;
	s0 =	simm.s32 $0x5;
	[dreg:$0x12] =	wrdreg s24  }
0x1f: {  	[dreg:$0x13] =	wrdreg s4;
	s4 =	simm.s32 $0xFA0;
	s11 =	simm.s32 $0x4  }
.LBB2_1:
0x20: {  	s14 =	rddreg [dreg:$0x9]  }
0x21: {  	s15 =	rddreg [dreg:$0x16]  }
0x22: {  	[spmem:s15], [sflag:s12] =	dma.local [hbm:s14], $0x30E  }
0x23: {  	_ =	swait.ge [sflag:s30], $0x30E  }
0x24: {  	[sflag:s30] =	ssyncset.done $0x0;
	s21 =	rddreg [dreg:$0xa]  }
0x25: {  	s22 =	rddreg [dreg:$0x17];
	[sflag:s30] =	ssyncadd.s32 $0xFFFFFCF2  }
0x26: {  	[spmem:s22], [sflag:s12] =	dma.local [hbm:s21], $0x30E  }
0x27: {  	_ =	swait.ge [sflag:s30], $0x30E  }
0x28: {  	[sflag:s30] =	ssyncset.done $0x0  }
0x29: {  	s23 =	rddreg [dreg:$0xb];
	[sflag:s30] =	ssyncadd.s32 $0xFFFFFCF2  }
0x2a: {  	[spmem:s29], [sflag:s12] =	dma.local [hbm:s23], $0x30E  }
0x2b: {  	_ =	swait.ge [sflag:s30], $0x30E  }
0x2c: {  	[sflag:s30] =	ssyncset.done $0x0;
	s24 =	rddreg [dreg:$0xc]  }
0x2d: {  	[sflag:s30] =	ssyncadd.s32 $0xFFFFFCF2;
	s14 =	sshrl.u32 s24, $0x3  }
0x2e: {  	[spmem:s14], [sflag:s12] =	dma.local [hbm:s16], $0x30E  }
0x2f: {  	_ =	swait.ge [sflag:s30], $0x30E  }
0x30: {  	[sflag:s30] =	ssyncset.done $0x0;
	s25 =	rddreg [dreg:$0xd]  }
0x31: {  	[sflag:s30] =	ssyncadd.s32 $0xFFFFFCF2;
	s15 =	sshrl.u32 s25, $0x3  }
0x32: {  	[spmem:s15], [sflag:s12] =	dma.local [hbm:s16], $0x30E  }
0x33: {  	_ =	swait.ge [sflag:s30], $0x30E  }
0x34: {  	[sflag:s30] =	ssyncset.done $0x0;
	s17 =	rddreg [dreg:$0xe]  }
0x35: {  	[sflag:s30] =	ssyncadd.s32 $0xFFFFFCF2;
	s17 =	sshrl.u32 s17, $0x3  }
0x36: {  	[spmem:s17], [sflag:s12] =	dma.local [hbm:s16], $0x30E  }
0x37: {  	_ =	swait.ge [sflag:s30], $0x30E  }
0x38: {  	[sflag:s30] =	ssyncset.done $0x0  }
0x39: {  	[sflag:s30] =	ssyncadd.s32 $0xFFFFFCF2  }
0x3a: {  	[bflag:$0x0] =	sbarrier.arrive $0xFFFF  }
0x3b: {  	s18 =	rddreg [dreg:$0xf]  }
0x3c: {  	s19 =	simm.s32 $0x92A0;
	s26 =	rddreg [dreg:$0x10]  }
0x3d: {  	[tilespmem:s19], [sflag:$0x1] =	stream.linear.gather [hbm4b:s18+s8], $0xFA0, $0x38;
	[tilespmem:$0x13E80] =	vst v63  }
0x3e: {  	s28 =	simm.s32 $0xB1E0;
	s20 =	simm.s32 $0x0;
	s25 =	rddreg [dreg:$0x15]  }
0x3f: {  	[tilespmem:s28], [sflag:$0x1] =	stream.linear.gather [hbm4b:s26+s8], $0xFA0, $0x38;
	[tilespmem:$0x13E80] =	vst v63  }
.LBB2_2:
0x40: {  	s19 =	sand.u32 $0x1, s20;
	p0 =	slt.u32 s20, $0x2  }
0x41: {  	s23 =	sor.u32 @!p0 $0x4, s19  }
0x42: {  	_ =	swait.ge @!p0 [sflag:s23], $0xFA0  }
0x43: {  	[sflag:s23] =	ssyncset.done @!p0 $0x0  }
0x44: {  	[sflag:s23] =	ssyncadd.s32 @!p0 $0xFFFFF060  }
0x45: {  	_ =	swait.ge @!p0 [sflag:s23], $0xFA0  }
0x46: {  	[sflag:s23] =	ssyncset.done @!p0 $0x0  }
0x47: {  	[sflag:s23] =	ssyncadd.s32 @!p0 $0xFFFFF060  }
0x48: {  	s22 =	smul.u32 $0xAB, s20;
	p1 =	seq.s32 @!p0 s20, $0x18;
	_ =	swait.ge @!p0 [sflag:s23], $0xFA0  }
0x49: {  	p1 =	por p0, !p1;
	[sflag:s23] =	ssyncset.done @!p0 $0x0  }
0x4a: {  	[sflag:s23] =	ssyncadd.s32 @!p0 $0xFFFFF060;
	s23 =	sadd.s32 @p1 $0xAB, s22  }
0x4b: {  	s23 =	sshrl.u32 @p1 s23, $0x9  }
0x4c: {  	s23 =	sand.u32 @p1 $0x7F, s23  }
0x4d: {  	s24 =	sxor.u32 @p1 $0x1, s19;
	s23 =	smul.u32 @p1 $0x3, s23  }
0x4e: {  	s21 =	sadd.s32 $0x1, s20;
	s26 =	smul.u32 @p1 $0x3E80, s24  }
0x4f: {  	s18 =	sshrl.u32 @p1 s25, $0x3;
	s23 =	ssub.s32 @p1 s21, s23  }
0x50: {  	s24 =	sadd.s32 @p1 $0x1, s24;
	s26 =	sshrl.u32 @p1 s26, $0x2;
	s23 =	sand.u32 @p1 $0xFF, s23  }
0x51: {  	s28 =	sadd.s32 @p1 s9, s18;
	s26 =	sadd.s32 @p1 $0x92A0, s26;
	s23 =	smul.u32 @p1 $0x3E80, s23  }
0x52: {  	[tilespmem:s26], [sflag:s24] =	stream.linear.gather @p1 [hbm4b:s28+s8], $0xFA0, $0x38;
	[tilespmem:$0x13E80] =	vst v63  }
0x53: {  	s23 =	sshrl.u32 @p1 s23, $0x2  }
0x54: {  	s18 =	sadd.s32 @p1 s10, s18;
	s28 =	sadd.s32 $0x1, s19;
	s23 =	sadd.s32 @p1 $0xB1E0, s23  }
0x55: {  	[tilespmem:s23], [sflag:s24] =	stream.linear.gather @p1 [hbm4b:s18+s8], $0xFA0, $0x38;
	[tilespmem:$0x13E80] =	vst v63  }
0x56: {  	_ =	swait.ge [sflag:s28], $0xFA0  }
0x57: {  	s26 =	smul.u32 $0xBB80, s19;
	[sflag:s28] =	ssyncset.done $0x0  }
0x58: {  	s24 =	smul.u32 $0x3E80, s19;
	[sflag:s28] =	ssyncadd.s32 $0xFFFFF060  }
0x59: {  	_ =	swait.ge [sflag:s28], $0xFA0  }
0x5a: {  	s23 =	sshrl.u32 s24, $0x2;
	s24 =	sshrl.u32 s26, $0x2;
	[sflag:s28] =	ssyncset.done $0x0  }
0x5b: {  	s23 =	sadd.s32 $0x92A0, s23;
	s18 =	sadd.s32 $0xE0C0, s24;
	[sflag:s28] =	ssyncadd.s32 $0xFFFFF060  }
0x5c: {  	[tilespmem:s18], [sflag:$0x3] =	stream.indirect.gather [spmem:s1], $0x1, s23, s4, $0xb8;
	[tilespmem:$0x13E80] =	vst v63  }
0x5d: {  	s26 =	sadd.s32 $0xF060, s24  }
0x5e: {  	[tilespmem:s26], [sflag:$0x3] =	stream.indirect.gather [spmem:s2], $0x1, s23, s4, $0xb8;
	[tilespmem:$0x13E80] =	vst v63  }
0x5f: {  	s22 =	sshrl.u32 s22, $0x9;
	s24 =	sor.u32 $0x10000, s24  }
0x60: {  	[tilespmem:s24], [sflag:$0x3] =	stream.indirect.gather [spmem:s3], $0x1, s23, s4, $0xb8;
	[tilespmem:$0x13E80] =	vst v63  }
0x61: {  	s22 =	sand.u32 $0x7F, s22;
	_ =	swait.ge [sflag:s31], $0xFA0  }
0x62: {  	s22 =	smul.u32 $0x3, s22;
	[sflag:s31] =	ssyncset.done $0x0  }
0x63: {  	[sflag:s31] =	ssyncadd.s32 $0xFFFFF060  }
0x64: {  	s28 =	ssub.s32 s20, s22;
	_ =	swait.ge [sflag:s31], $0xFA0  }
0x65: {  	s20 =	sand.u32 $0xFF, s28;
	[sflag:s31] =	ssyncset.done $0x0  }
0x66: {  	s20 =	smul.u32 $0x3E80, s20;
	[sflag:s31] =	ssyncadd.s32 $0xFFFFF060  }
0x67: {  	_ =	swait.ge [sflag:s31], $0xFA0  }
0x68: {  	p0 =	sne.s32 s21, $0x19;
	s20 =	sshrl.u32 s20, $0x2;
	[sflag:s31] =	ssyncset.done $0x0  }
0x69: {  	s19 =	sor.u32 $0x4, s19;
	s20 =	sadd.s32 $0xB1E0, s20;
	[sflag:s31] =	ssyncadd.s32 $0xFFFFF060  }
0x6a: {  	[spmem:s5] =	stream.indirect.scatter.add.f32 [tilespmem:s18], [sflag:s19], $0x1, s20, s4, $0xb8;
	[tilespmem:$0x13E80] =	vst v63  }
.Ltmp0:
0x6b: {  	_ = 	snop;
	(pc) =	sbr.rel @p0 .LBB2_2-.Ltmp0, $4  }
0x6c: {  	[spmem:s6] =	stream.indirect.scatter.add.f32 [tilespmem:s26], [sflag:s19], $0x1, s20, s4, $0xb8;
	[tilespmem:$0x13E80] =	vst v63  }
0x6d: {  	_ = 	snop  }
0x6e: {  	[spmem:s7] =	stream.indirect.scatter.add.f32 [tilespmem:s24], [sflag:s19], $0x1, s20, s4, $0xb8;
	[tilespmem:$0x13E80] =	vst v63  }
0x6f: {  	s25 =	sadd.s32 $0xFA0, s25;
	s20 =	smov.u32 s21  }
0x70: {  	_ =	swait.ge [sflag:s0], $0xFA0  }
0x71: {  	[sflag:s0] =	ssyncset.done $0x0  }
0x72: {  	[sflag:s0] =	ssyncadd.s32 $0xFFFFF060  }
0x73: {  	_ =	swait.ge [sflag:s0], $0xFA0  }
0x74: {  	[sflag:s0] =	ssyncset.done $0x0  }
0x75: {  	[sflag:s0] =	ssyncadd.s32 $0xFFFFF060  }
0x76: {  	_ =	swait.ge [sflag:s0], $0xFA0  }
0x77: {  	[sflag:s0] =	ssyncset.done $0x0  }
0x78: {  	[sflag:s0] =	ssyncadd.s32 $0xFFFFF060  }
0x79: {  	_ =	swait.ge [sflag:s11], $0xFA0  }
0x7a: {  	[sflag:s11] =	ssyncset.done $0x0  }
0x7b: {  	[sflag:s11] =	ssyncadd.s32 $0xFFFFF060  }
0x7c: {  	_ =	swait.ge [sflag:s11], $0xFA0  }
0x7d: {  	[sflag:s11] =	ssyncset.done $0x0  }
0x7e: {  	[sflag:s11] =	ssyncadd.s32 $0xFFFFF060  }
0x7f: {  	_ =	swait.ge [sflag:s11], $0xFA0  }
0x80: {  	[sflag:s11] =	ssyncset.done $0x0  }
0x81: {  	[sflag:s11] =	ssyncadd.s32 $0xFFFFF060  }
0x82: {  	[bflag:$0x0] =	sbarrier.arrive $0xFFFF  }
0x83: {  	s18 =	rddreg [dreg:$0x11]  }
0x84: {  	[hbm:s18], [sflag:s12] =	dma.local [spmem:s14], $0x30E  }
0x85: {  	_ =	swait.ge [sflag:s30], $0x30E  }
0x86: {  	[sflag:s30] =	ssyncset.done $0x0  }
0x87: {  	s25 =	rddreg [dreg:$0x12];
	[sflag:s30] =	ssyncadd.s32 $0xFFFFFCF2  }
0x88: {  	[hbm:s25], [sflag:s12] =	dma.local [spmem:s15], $0x30E  }
0x89: {  	_ =	swait.ge [sflag:s30], $0x30E  }
0x8a: {  	[sflag:s30] =	ssyncset.done $0x0  }
0x8b: {  	s26 =	rddreg [dreg:$0x13];
	[sflag:s30] =	ssyncadd.s32 $0xFFFFFCF2  }
0x8c: {  	[hbm:s26], [sflag:s12] =	dma.local [spmem:s17], $0x30E  }
0x8d: {  	_ =	swait.ge [sflag:s30], $0x30E  }
0x8e: {  	s13 =	sadd.s32 $0x1, s13;
	s28 =	rddreg [dreg:$0x14]  }
0x8f: {  	p0 =	sne.s32 s13, s28  }
.Ltmp1:
0x90: {  	_ = 	snop;
	(pc) =	sbr.rel @p0 .LBB2_1-.Ltmp1, $3  }
0x91: {  	_ =	sdelay $0x1  }
0x92: {  	[sflag:s30] =	ssyncset.done $0x0  }
0x93: {  	[sflag:s30] =	ssyncadd.s32 $0xFFFFFCF2  }
0x94: {  	_ =	sfence.sel $0x180000  }
0x95: {  	[bflag:$0x0] =	sbarrier.arrive $0xFFFF  }
0x96: {  	_ =	strace $0x90000047  }
0x97: {  	s0 =	stileid.u32;
	[bflag:$0x2] =	sbarrier.arrive $0xFFFF  }
0x98: {  	p0 =	sne.s32 s0, $0x0;
	s0 =	rddreg [dreg:$0x8]  }
0x99: {  	s0 =	sadd.s32 @!p0 $0x100000, s0  }
0x9a: {  	[sflag:s0] =	ssyncadd.tile.s32 @!p0 $0x1;
	_ =	shalt  }
.Lfunc_end2:
_tile_overlayer_lowered:
.L_overlay_start_2:
0x9b: {  	(tag) =	ssettag $0x2  }
0x9c: {  	s0 =	rddreg [dreg:$0x0];
	s2 =	stileid.u32  }
0x9d: {  	s1 =	rddreg [dreg:$0x1];
	p0 =	sne.s32 s2, $0x0  }
0x9e: {  	s3 =	rddreg [dreg:$0x2];
	[bflag:$0x3] =	sbarrier.arrive $0xFFFF;
	s2 =	simm.s32 @!p0 $0x1C06  }
0x9f: {  	[timem:s3], [sflag:s2] =	dma.local @!p0 [hbm:s0], s1  }
0xa0: {  	s0 =	simm.s32 @!p0 $0x6  }
0xa1: {  	_ =	swait.ge @!p0 [sflag:s0], s1  }
0xa2: {  	s1 =	ssub.s32 @!p0 $0x0, s1;
	[sflag:s0] =	ssyncset.done @!p0 $0x0  }
0xa3: {  	[sflag:s0] =	ssyncadd.s32 @!p0 s1  }
0xa4: {  	[bflag:$0x3] =	sbarrier.arrive $0xFFFF  }
0xa5: {  	_ =	shalt  }

</sc_bundles>
